<compile_context>
chip_gen: v7x
topology: tpu7x:2x2x1
jax: 0.10.2.dev20260603
libtpu: 0.0.44.dev20260713+nightly
codegen_flags: <defaults>
</compile_context>

<pallas_src>
import functools

import jax
import jax.numpy as jnp
from jax import lax
from jax.experimental import pallas as pl
from jax.experimental.pallas import tpu as pltpu
from jax.experimental.pallas import tpu_sc as plsc


def _scores_kernel(h):
    B, S, D = h.shape
    SB = 512

    def body(x_ref, out_ref):
        s = pl.program_id(1)
        x = x_ref[0]
        out_ref[0, 0, pl.ds(s * SB, SB)] = jnp.sqrt(jnp.sum(x * x, axis=-1))

    return pl.pallas_call(
        body,
        grid=(B, S // SB),
        in_specs=[pl.BlockSpec((1, SB, D), lambda b, s: (b, s, 0))],
        out_specs=pl.BlockSpec((1, 1, S), lambda b, s: (b, 0, 0)),
        out_shape=jax.ShapeDtypeStruct((B, 1, S), jnp.float32),
    )(h)


def _select_kernel(scores, k):
    B, _, S = scores.shape

    def body(sc_ref, aux_ref):
        bits = lax.bitcast_convert_type(sc_ref[:, 0, :], jnp.int32)

        def rs_body(i, prefix):
            t = prefix | lax.shift_left(jnp.int32(1), 30 - i)
            cnt = jnp.sum((bits >= t).astype(jnp.int32), axis=1,
                          keepdims=True)
            return jnp.where(cnt >= k, t, prefix)

        prefix = lax.fori_loop(0, 31, rs_body, jnp.zeros((B, 1), jnp.int32))
        cnt_gt = jnp.sum((bits > prefix).astype(jnp.int32), axis=1,
                         keepdims=True)
        r = (k - cnt_gt).astype(jnp.float32)
        tval = lax.bitcast_convert_type(prefix, jnp.float32)
        lane = lax.broadcasted_iota(jnp.int32, (B, 16), 1)
        aux_ref[:, 0, :] = jnp.where(lane == 0, tval,
                                     jnp.where(lane == 1, r, 0.0))

    return pl.pallas_call(
        body,
        out_shape=jax.ShapeDtypeStruct((B, 1, 16), jnp.float32),
    )(scores)


def _lane_shift_sum(x, lanes):
    dnums = lax.GatherDimensionNumbers(
        offset_dims=(), collapsed_slice_dims=(0,), start_index_map=(0,))
    for d in (1, 2, 4, 8):
        g = lax.gather(x, jnp.maximum(lanes - d, 0)[:, None], dnums,
                       slice_sizes=(1,),
                       mode=lax.GatherScatterMode.PROMISE_IN_BOUNDS)
        x = x + jnp.where(lanes >= d, g, 0)
    return x


def _select_gather(h, scores, aux, k):
    B, S, D = h.shape
    mesh = plsc.VectorSubcoreMesh(core_axis_name="c", subcore_axis_name="s")
    NC, NS = mesh.num_cores, mesh.num_subcores
    BPC = B // NC
    NSEG = NS // BPC
    CH = 16
    SEGLEN = -(-(-(-k // NSEG)) // 128) * 128
    NCHUNK = SEGLEN // CH
    LASTLEN = k - (NSEG - 1) * SEGLEN
    TAILFULL = LASTLEN // CH
    TREM = LASTLEN % CH

    @functools.partial(
        pl.kernel,
        out_type=jax.ShapeDtypeStruct((B, k, D), jnp.float32),
        mesh=mesh,
        compiler_params=pltpu.CompilerParams(needs_layout_passes=False, use_tc_tiling_on_sc=False),
        scratch_types=[
            pltpu.VMEM((S,), jnp.float32),
            pltpu.VMEM((NSEG * SEGLEN,), jnp.int32),
            pltpu.VMEM((16,), jnp.float32),
            pltpu.VMEM((SEGLEN,), jnp.int32),
            pltpu.VMEM((CH, D), jnp.float32),
            pltpu.VMEM((CH, D), jnp.float32),
            pltpu.VMEM_SHARED((BPC * NSEG * SEGLEN,), jnp.int32),
            pltpu.SemaphoreType.DMA,
            pltpu.SemaphoreType.DMA,
        ],
    )
    def kfn(h_hbm, sc_hbm, aux_hbm, out_hbm,
            score_v, idxf_v, aux_v, idxseg_v, buf0, buf1, shared_idx,
            sem0, sem1):
        c = lax.axis_index("c")
        s = lax.axis_index("s")
        half = s // NSEG
        b = c * BPC + half
        j = s % NSEG

        @pl.when(j == 0)
        def _():
            pltpu.sync_copy(sc_hbm.at[b, 0], score_v)
            pltpu.sync_copy(aux_hbm.at[b, 0], aux_v)
            av = aux_v[pl.ds(0, 16)]
            tval = av[0]
            r = av[1].astype(jnp.int32)
            lanes = lax.iota(jnp.int32, 16)

            def cbody(i, carry):
                off, eqc = carry
                base = pl.multiple_of(i * 16, 16)
                sv = score_v[pl.ds(base, 16)]
                gt = sv > tval
                eq = sv == tval
                eqi = eq.astype(jnp.int32)
                ceq = _lane_shift_sum(eqi, lanes)
                keep_eq = jnp.logical_and(eq, (eqc + ceq - eqi) < r)
                mask = jnp.logical_or(gt, keep_eq)
                mi = mask.astype(jnp.int32)
                cm = _lane_shift_sum(mi, lanes)
                pos = off + cm - mi
                li = base + lanes
                plsc.store_scatter(idxf_v, [pos], li, mask=mask)
                return (off + plsc.all_reduce_population_count(mask),
                        eqc + plsc.all_reduce_population_count(eq))

            z = jnp.zeros((16,), jnp.int32)
            lax.fori_loop(0, S // 16, cbody, (z, z))
            pltpu.sync_copy(
                idxf_v,
                shared_idx.at[pl.ds(
                    pl.multiple_of(half * NSEG * SEGLEN, 128),
                    NSEG * SEGLEN)])

        plsc.subcore_barrier()

        pltpu.sync_copy(
            shared_idx.at[pl.ds(
                pl.multiple_of((half * NSEG + j) * SEGLEN, 128), SEGLEN)],
            idxseg_v)
        sj = j * SEGLEN
        nfull = jnp.where(j == NSEG - 1, TAILFULL, NCHUNK)
        assert NCHUNK % 2 == 0 and TAILFULL % 2 == 0 and TAILFULL >= 2

        def start(ci, bufx, semx):
            base = pl.multiple_of(ci * CH, CH)
            iv = idxseg_v[pl.ds(base, CH)]
            pltpu.async_copy(h_hbm.at[b].at[iv], bufx, semx)

        def waitbuf(bufx, semx):
            pltpu.make_async_copy(h_hbm.at[b, pl.ds(0, CH), :], bufx,
                                  semx).wait()

        def write(ci, bufx):
            base = pl.multiple_of(ci * CH, CH)
            pltpu.sync_copy(
                bufx,
                out_hbm.at[b, pl.ds(pl.multiple_of(sj + base, CH), CH), :])

        start(0, buf0, sem0)
        start(1, buf1, sem1)

        def pbody(ci2, carry):
            c0 = ci2 * 2

            waitbuf(buf0, sem0)
            write(c0, buf0)

            @pl.when(c0 + 2 < nfull)
            def _():
                start(c0 + 2, buf0, sem0)

            waitbuf(buf1, sem1)
            write(c0 + 1, buf1)

            @pl.when(c0 + 3 < nfull)
            def _():
                start(c0 + 3, buf1, sem1)

            return carry

        lax.fori_loop(0, nfull // 2, pbody, 0)

        if TREM:
            @pl.when(j == NSEG - 1)
            def _():
                base = TAILFULL * CH
                lanes2 = lax.iota(jnp.int32, CH)
                iv = plsc.load_gather(
                    idxseg_v,
                    [jnp.minimum(base + lanes2, base + TREM - 1)])
                pltpu.async_copy(h_hbm.at[b].at[iv], buf0, sem0).wait()
                rv = jnp.minimum(sj + base + lanes2, k - 1)
                pltpu.async_copy(buf0, out_hbm.at[b].at[rv], sem0).wait()

    return kfn(h, scores, aux)


def kernel(hidden_states):
    B, S, D = hidden_states.shape
    depth_ratio = (20 - 8) / (32 - 8)
    merge_ratio = 0.2 * depth_ratio
    k = max(int(S * (1.0 - merge_ratio)), S // 3)
    scores = _scores_kernel(hidden_states)
    aux = _select_kernel(scores, k)
    return _select_gather(hidden_states, scores, aux, k)

# --- scband reference (transcript-rebuilt; emitter-appended) ---
"""Pipeline reference for scband-drtwrapper-32968168964778 (READ-ONLY COPY).

The authoritative reference and input builder live on the scoring server;
editing this copy changes nothing except your own understanding.
"""

import jax, jax.numpy as jnp
import numpy as np

# DRT hook constants (modeled from wrapper config)
NUM_HIDDEN_LAYERS = 32
START_MERGE_LAYER = 8
LAYER_IDX = 20
MERGE_THRESHOLD = 0.5


def setup_inputs(seed: int = 0) -> dict:
    key = jax.random.key(seed)
    hidden_states = jax.random.normal(key, (4, 4096, 2048), dtype=jnp.float32)
    return {"hidden_states": hidden_states}


def reference(hidden_states):
    # Faithful translation of the DRT forward hook's token-merging logic
    B, S, D = hidden_states.shape
    depth_ratio = (LAYER_IDX - START_MERGE_LAYER) / (NUM_HIDDEN_LAYERS - START_MERGE_LAYER)
    # no layer_merge_stats recorded -> merge_ratio = 0.2 * depth_ratio
    merge_ratio = 0.2 * depth_ratio
    num_tokens_to_keep = int(S * (1.0 - merge_ratio))
    num_tokens_to_keep = max(num_tokens_to_keep, S // 3)
    # token_scores = hidden_states.norm(dim=-1)
    token_scores = jnp.sqrt(jnp.sum(hidden_states * hidden_states, axis=-1))
    # topk over sequence dim, then sort kept indices ascending (preserve order)
    _, keep_indices = jax.lax.top_k(token_scores, num_tokens_to_keep)
    keep_indices = jnp.sort(keep_indices, axis=1)
    # gather kept tokens: torch.gather(hidden_states, 1, idx.unsqueeze(-1).expand(...))
    merged_hidden = jnp.take_along_axis(hidden_states, keep_indices[:, :, None], axis=1)
    return merged_hidden

if __name__ == "__main__":
    import jax
    _d = setup_inputs()
    print(jax.jit(kernel)(*tuple(_d.values())))

</pallas_src>

<mosaic_0001>
#map = affine_map<(d0, d1) -> (0, 0, 0)>
module attributes {stable_mosaic.version = 14 : i64} {
  func.func @kfn(%arg0: i32, %arg1: i32, %arg2: memref<4x4096x2048xf32, #tpu.memory_space<hbm>>, %arg3: memref<4x1x4096xf32, #tpu.memory_space<hbm>>, %arg4: memref<4x1x16xf32, #tpu.memory_space<hbm>>, %arg5: memref<4x3686x2048xf32, #tpu.memory_space<hbm>>, %arg6: memref<4096xf32, #tpu.memory_space<vmem>>, %arg7: memref<4096xi32, #tpu.memory_space<vmem>>, %arg8: memref<16xf32, #tpu.memory_space<vmem>>, %arg9: memref<512xi32, #tpu.memory_space<vmem>>, %arg10: memref<16x2048xf32, #tpu.memory_space<vmem>>, %arg11: memref<16x2048xf32, #tpu.memory_space<vmem>>, %arg12: memref<8192xi32, #tpu.memory_space<vmem_shared>>, %arg13: memref<!tpu.dma_semaphore, #tpu.memory_space<semaphore_mem>>, %arg14: memref<!tpu.dma_semaphore, #tpu.memory_space<semaphore_mem>>) attributes {dimension_semantics = [#tpu.dimension_semantics<core_parallel>, #tpu.dimension_semantics<subcore_parallel>], iteration_bounds = array<i64: 2, 16>, scalar_prefetch = 0 : i64, scratch_operands = 9 : i64, tpu.core_type = #tpu.core_type<sc_vector_subcore>, window_params = [{transform_indices = #map}, {transform_indices = #map}, {transform_indices = #map}, {transform_indices = #map}]} {
    %jit3A = arith.constant 8 : i32
    %div3A = arith.divsi %arg1, %jit3A : i32
    %sign3A = arith.constant 0 : i32
    %sign3A_0 = arith.cmpi sgt, %arg1, %sign3A : i32
    %sign3A_1 = arith.extui %sign3A_0 : i1 to i32
    %sign3A_2 = arith.constant 0 : i32
    %sign3A_3 = arith.cmpi slt, %arg1, %sign3A_2 : i32
    %sign3A_4 = arith.extui %sign3A_3 : i1 to i32
    %sign3A_5 = arith.subi %sign3A_1, %sign3A_4 : i32
    %sign3A_6 = arith.constant 0 : i32
    %sign3A_7 = arith.cmpi sgt, %jit3A, %sign3A_6 : i32
    %sign3A_8 = arith.extui %sign3A_7 : i1 to i32
    %sign3A_9 = arith.constant 0 : i32
    %sign3A_10 = arith.cmpi slt, %jit3A, %sign3A_9 : i32
    %sign3A_11 = arith.extui %sign3A_10 : i1 to i32
    %sign3A_12 = arith.subi %sign3A_8, %sign3A_11 : i32
    %ne3A = arith.cmpi ne, %sign3A_5, %sign3A_12 : i32
    %rem3A = arith.remsi %arg1, %jit3A : i32
    %ne3A_13 = arith.constant 0 : i32
    %ne3A_14 = arith.cmpi ne, %rem3A, %ne3A_13 : i32
    %and3A = arith.andi %ne3A, %ne3A_14 : i1
    %sub3A = arith.constant 1 : i32
    %sub3A_15 = arith.subi %div3A, %sub3A : i32
    %select_n3A = arith.select %and3A, %sub3A_15, %div3A : i32
    %mul3A = arith.constant 2 : i32
    %mul3A_16 = arith.muli %arg0, %mul3A : i32
    %add3A = arith.addi %mul3A_16, %select_n3A : i32
    %jit3A_17 = arith.constant 8 : i32
    %eq3A = arith.constant 0 : i32
    %eq3A_18 = arith.cmpi eq, %jit3A_17, %eq3A : i32
    %jit3A_19 = arith.constant 1 : i32
    %select_n3A_20 = arith.select %eq3A_18, %jit3A_19, %jit3A_17 : i32
    %rem3A_21 = arith.remsi %arg1, %select_n3A_20 : i32
    %ne3A_22 = arith.constant 0 : i32
    %ne3A_23 = arith.cmpi ne, %rem3A_21, %ne3A_22 : i32
    %lt3A = arith.constant 0 : i32
    %lt3A_24 = arith.cmpi slt, %rem3A_21, %lt3A : i32
    %lt3A_25 = arith.constant 0 : i32
    %lt3A_26 = arith.cmpi slt, %select_n3A_20, %lt3A_25 : i32
    %ne3A_27 = arith.xori %lt3A_24, %lt3A_26 : i1
    %and3A_28 = arith.andi %ne3A_27, %ne3A_23 : i1
    %add3A_29 = arith.addi %rem3A_21, %select_n3A_20 : i32
    %select_n3A_30 = arith.select %and3A_28, %add3A_29, %rem3A_21 : i32
    %eq3A_31 = arith.constant 0 : i32
    %eq3A_32 = arith.cmpi eq, %select_n3A_30, %eq3A_31 : i32
    %convert_element_type3A = arith.extui %eq3A_32 : i1 to i32
    %cond3A = arith.constant 0 : i32
    %cond3A_33 = arith.cmpi ne, %convert_element_type3A, %cond3A : i32
    scf.if %cond3A_33 {
      %run_scoped3A = arith.constant 0 : i32
      "tpu.region"() ({
        %run_scoped3A_121 = tpu.sem_alloc : memref<!tpu.dma_semaphore, #tpu.memory_space<semaphore_mem>>
        %dma_start3A_122 = arith.constant 0 : i32
        %dma_start3A_123 = tpu.memref_slice %arg3[%add3A, %run_scoped3A, %dma_start3A_122] : memref<4x1x4096xf32, #tpu.memory_space<hbm>> -> memref<1x1x4096xf32, #tpu.memory_space<hbm>>
        %dma_start3A_124 = tpu.memref_squeeze %dma_start3A_123 : memref<1x1x4096xf32, #tpu.memory_space<hbm>> -> memref<4096xf32, #tpu.memory_space<hbm>>
        %dma_start3A_125 = arith.constant 0 : i32
        %dma_start3A_126 = tpu.memref_slice %arg3[%add3A, %run_scoped3A, %dma_start3A_125] : memref<4x1x4096xf32, #tpu.memory_space<hbm>> -> memref<1x1x4096xf32, #tpu.memory_space<hbm>>
        %dma_start3A_127 = tpu.memref_squeeze %dma_start3A_126 : memref<1x1x4096xf32, #tpu.memory_space<hbm>> -> memref<4096xf32, #tpu.memory_space<hbm>>
        tpu.enqueue_dma source(%dma_start3A_127 : memref<4096xf32, #tpu.memory_space<hbm>>) target(%arg6 : memref<4096xf32, #tpu.memory_space<vmem>>) target_semaphore(%run_scoped3A_121 : memref<!tpu.dma_semaphore, #tpu.memory_space<semaphore_mem>>)
        %dma_wait3A = arith.constant 0 : i32
        %dma_wait3A_128 = tpu.memref_slice %arg3[%add3A, %run_scoped3A, %dma_wait3A] : memref<4x1x4096xf32, #tpu.memory_space<hbm>> -> memref<1x1x4096xf32, #tpu.memory_space<hbm>>
        %dma_wait3A_129 = tpu.memref_squeeze %dma_wait3A_128 : memref<1x1x4096xf32, #tpu.memory_space<hbm>> -> memref<4096xf32, #tpu.memory_space<hbm>>
        %dma_wait3A_130 = arith.constant 0 : i32
        %dma_wait3A_131 = tpu.memref_slice %arg3[%add3A, %run_scoped3A, %dma_wait3A_130] : memref<4x1x4096xf32, #tpu.memory_space<hbm>> -> memref<1x1x4096xf32, #tpu.memory_space<hbm>>
        %dma_wait3A_132 = tpu.memref_squeeze %dma_wait3A_131 : memref<1x1x4096xf32, #tpu.memory_space<hbm>> -> memref<4096xf32, #tpu.memory_space<hbm>>
        tpu.wait_dma2 semaphore(%run_scoped3A_121 : memref<!tpu.dma_semaphore, #tpu.memory_space<semaphore_mem>>) src(%dma_wait3A_132 : memref<4096xf32, #tpu.memory_space<hbm>>) dst(%arg6 : memref<4096xf32, #tpu.memory_space<vmem>>)
        tpu.yield
      }) : () -> ()
      %run_scoped3A_104 = arith.constant 0 : i32
      "tpu.region"() ({
        %run_scoped3A_121 = tpu.sem_alloc : memref<!tpu.dma_semaphore, #tpu.memory_space<semaphore_mem>>
        %dma_start3A_122 = arith.constant 0 : i32
        %dma_start3A_123 = tpu.memref_slice %arg4[%add3A, %run_scoped3A_104, %dma_start3A_122] : memref<4x1x16xf32, #tpu.memory_space<hbm>> -> memref<1x1x16xf32, #tpu.memory_space<hbm>>
        %dma_start3A_124 = tpu.memref_squeeze %dma_start3A_123 : memref<1x1x16xf32, #tpu.memory_space<hbm>> -> memref<16xf32, #tpu.memory_space<hbm>>
        %dma_start3A_125 = arith.constant 0 : i32
        %dma_start3A_126 = tpu.memref_slice %arg4[%add3A, %run_scoped3A_104, %dma_start3A_125] : memref<4x1x16xf32, #tpu.memory_space<hbm>> -> memref<1x1x16xf32, #tpu.memory_space<hbm>>
        %dma_start3A_127 = tpu.memref_squeeze %dma_start3A_126 : memref<1x1x16xf32, #tpu.memory_space<hbm>> -> memref<16xf32, #tpu.memory_space<hbm>>
        tpu.enqueue_dma source(%dma_start3A_127 : memref<16xf32, #tpu.memory_space<hbm>>) target(%arg8 : memref<16xf32, #tpu.memory_space<vmem>>) target_semaphore(%run_scoped3A_121 : memref<!tpu.dma_semaphore, #tpu.memory_space<semaphore_mem>>)
        %dma_wait3A = arith.constant 0 : i32
        %dma_wait3A_128 = tpu.memref_slice %arg4[%add3A, %run_scoped3A_104, %dma_wait3A] : memref<4x1x16xf32, #tpu.memory_space<hbm>> -> memref<1x1x16xf32, #tpu.memory_space<hbm>>
        %dma_wait3A_129 = tpu.memref_squeeze %dma_wait3A_128 : memref<1x1x16xf32, #tpu.memory_space<hbm>> -> memref<16xf32, #tpu.memory_space<hbm>>
        %dma_wait3A_130 = arith.constant 0 : i32
        %dma_wait3A_131 = tpu.memref_slice %arg4[%add3A, %run_scoped3A_104, %dma_wait3A_130] : memref<4x1x16xf32, #tpu.memory_space<hbm>> -> memref<1x1x16xf32, #tpu.memory_space<hbm>>
        %dma_wait3A_132 = tpu.memref_squeeze %dma_wait3A_131 : memref<1x1x16xf32, #tpu.memory_space<hbm>> -> memref<16xf32, #tpu.memory_space<hbm>>
        tpu.wait_dma2 semaphore(%run_scoped3A_121 : memref<!tpu.dma_semaphore, #tpu.memory_space<semaphore_mem>>) src(%dma_wait3A_132 : memref<16xf32, #tpu.memory_space<hbm>>) dst(%arg8 : memref<16xf32, #tpu.memory_space<vmem>>)
        tpu.yield
      }) : () -> ()
      %get3A_105 = arith.constant 0 : index
      %get3A_106 = tpu.vector_load %arg8[%get3A_105] {strides = array<i32>} : memref<16xf32, #tpu.memory_space<vmem>>, vector<16xf32>,
      %slice3A = vector.extract_strided_slice %get3A_106 {offsets = [0], sizes = [1], strides = [1]} : vector<16xf32> to vector<1xf32>
      %squeeze3A = vector.extract %slice3A[0] : f32 from vector<1xf32>
      %slice3A_107 = vector.extract_strided_slice %get3A_106 {offsets = [1], sizes = [1], strides = [1]} : vector<16xf32> to vector<1xf32>
      %squeeze3A_108 = vector.extract %slice3A_107[0] : f32 from vector<1xf32>
      %convert_element_type3A_109 = arith.fptosi %squeeze3A_108 : f32 to i32
      %iota3A = tpu.iota {dimensions = array<i32: 0>} : vector<16xi32>
      %broadcast_in_dim3A = arith.constant 0 : i32
      %broadcast_in_dim3A_110 = vector.broadcast %broadcast_in_dim3A : i32 to vector<16xi32>
      %scan3A = arith.constant 0 : i32
      %scan3A_111 = arith.constant 256 : i32
      %scan3A_112 = arith.addi %scan3A, %scan3A_111 : i32
      %scan3A_113 = arith.constant 1 : i32
      %scan3A_114:2 = scf.for %scan3A_121 = %scan3A to %scan3A_112 step %scan3A_113 iter_args(%scan3A_122 = %broadcast_in_dim3A_110, %scan3A_123 = %broadcast_in_dim3A_110) -> (vector<16xi32>, vector<16xi32>)  : i32 {
        %mul3A_124 = arith.constant 16 : i32
        %mul3A_125 = arith.muli %scan3A_121, %mul3A_124 : i32
        %multiple_of3A_126 = tpu.assume_multiple %mul3A_125, 16 : i32
        %get3A_127 = arith.index_cast %multiple_of3A_126 : i32 to index
        %get3A_128 = tpu.vector_load %arg6[%get3A_127] {strides = array<i32>} : memref<4096xf32, #tpu.memory_space<vmem>>, vector<16xf32>,
        %gt3A = vector.broadcast %squeeze3A : f32 to vector<16xf32>
        %gt3A_129 = arith.cmpf ogt, %get3A_128, %gt3A : vector<16xf32>
        %eq3A_130 = vector.broadcast %squeeze3A : f32 to vector<16xf32>
        %eq3A_131 = arith.cmpf oeq, %get3A_128, %eq3A_130 : vector<16xf32>
        %convert_element_type3A_132 = arith.extui %eq3A_131 : vector<16xi1> to vector<16xi32>
        %sub3A_133 = arith.constant 1 : i32
        %sub3A_134 = vector.broadcast %sub3A_133 : i32 to vector<16xi32>
        %sub3A_135 = arith.subi %iota3A, %sub3A_134 : vector<16xi32>
        %max3A = arith.constant 0 : i32
        %max3A_136 = vector.broadcast %max3A : i32 to vector<16xi32>
        %max3A_137 = arith.maxsi %sub3A_135, %max3A_136 : vector<16xi32>
        %broadcast_in_dim3A_138 = vector.shape_cast %max3A_137 : vector<16xi32> to vector<16x1xi32>
        %gather3A = vector.shape_cast %broadcast_in_dim3A_138 : vector<16x1xi32> to vector<16xi32>
        %gather3A_139 = tpu.dynamic_gather %convert_element_type3A_132[%gather3A] in [0] : vector<16xi32>, vector<16xi32> -> vector<16xi32>
        %ge3A = arith.constant 1 : i32
        %ge3A_140 = vector.broadcast %ge3A : i32 to vector<16xi32>
        %ge3A_141 = arith.cmpi sge, %iota3A, %ge3A_140 : vector<16xi32>
        %jit3A_142 = arith.constant 0 : i32
        %broadcast_in_dim3A_143 = vector.broadcast %jit3A_142 : i32 to vector<16xi32>
        %select_n3A_144 = arith.select %ge3A_141, %gather3A_139, %broadcast_in_dim3A_143 : vector<16xi1>, vector<16xi32>
        %add3A_145 = arith.addi %convert_element_type3A_132, %select_n3A_144 : vector<16xi32>
        %sub3A_146 = arith.constant 2 : i32
        %sub3A_147 = vector.broadcast %sub3A_146 : i32 to vector<16xi32>
        %sub3A_148 = arith.subi %iota3A, %sub3A_147 : vector<16xi32>
        %max3A_149 = arith.constant 0 : i32
        %max3A_150 = vector.broadcast %max3A_149 : i32 to vector<16xi32>
        %max3A_151 = arith.maxsi %sub3A_148, %max3A_150 : vector<16xi32>
        %broadcast_in_dim3A_152 = vector.shape_cast %max3A_151 : vector<16xi32> to vector<16x1xi32>
        %gather3A_153 = vector.shape_cast %broadcast_in_dim3A_152 : vector<16x1xi32> to vector<16xi32>
        %gather3A_154 = tpu.dynamic_gather %add3A_145[%gather3A_153] in [0] : vector<16xi32>, vector<16xi32> -> vector<16xi32>
        %ge3A_155 = arith.constant 2 : i32
        %ge3A_156 = vector.broadcast %ge3A_155 : i32 to vector<16xi32>
        %ge3A_157 = arith.cmpi sge, %iota3A, %ge3A_156 : vector<16xi32>
        %jit3A_158 = arith.constant 0 : i32
        %broadcast_in_dim3A_159 = vector.broadcast %jit3A_158 : i32 to vector<16xi32>
        %select_n3A_160 = arith.select %ge3A_157, %gather3A_154, %broadcast_in_dim3A_159 : vector<16xi1>, vector<16xi32>
        %add3A_161 = arith.addi %add3A_145, %select_n3A_160 : vector<16xi32>
        %sub3A_162 = arith.constant 4 : i32
        %sub3A_163 = vector.broadcast %sub3A_162 : i32 to vector<16xi32>
        %sub3A_164 = arith.subi %iota3A, %sub3A_163 : vector<16xi32>
        %max3A_165 = arith.constant 0 : i32
        %max3A_166 = vector.broadcast %max3A_165 : i32 to vector<16xi32>
        %max3A_167 = arith.maxsi %sub3A_164, %max3A_166 : vector<16xi32>
        %broadcast_in_dim3A_168 = vector.shape_cast %max3A_167 : vector<16xi32> to vector<16x1xi32>
        %gather3A_169 = vector.shape_cast %broadcast_in_dim3A_168 : vector<16x1xi32> to vector<16xi32>
        %gather3A_170 = tpu.dynamic_gather %add3A_161[%gather3A_169] in [0] : vector<16xi32>, vector<16xi32> -> vector<16xi32>
        %ge3A_171 = arith.constant 4 : i32
        %ge3A_172 = vector.broadcast %ge3A_171 : i32 to vector<16xi32>
        %ge3A_173 = arith.cmpi sge, %iota3A, %ge3A_172 : vector<16xi32>
        %jit3A_174 = arith.constant 0 : i32
        %broadcast_in_dim3A_175 = vector.broadcast %jit3A_174 : i32 to vector<16xi32>
        %select_n3A_176 = arith.select %ge3A_173, %gather3A_170, %broadcast_in_dim3A_175 : vector<16xi1>, vector<16xi32>
        %add3A_177 = arith.addi %add3A_161, %select_n3A_176 : vector<16xi32>
        %sub3A_178 = arith.constant 8 : i32
        %sub3A_179 = vector.broadcast %sub3A_178 : i32 to vector<16xi32>
        %sub3A_180 = arith.subi %iota3A, %sub3A_179 : vector<16xi32>
        %max3A_181 = arith.constant 0 : i32
        %max3A_182 = vector.broadcast %max3A_181 : i32 to vector<16xi32>
        %max3A_183 = arith.maxsi %sub3A_180, %max3A_182 : vector<16xi32>
        %broadcast_in_dim3A_184 = vector.shape_cast %max3A_183 : vector<16xi32> to vector<16x1xi32>
        %gather3A_185 = vector.shape_cast %broadcast_in_dim3A_184 : vector<16x1xi32> to vector<16xi32>
        %gather3A_186 = tpu.dynamic_gather %add3A_177[%gather3A_185] in [0] : vector<16xi32>, vector<16xi32> -> vector<16xi32>
        %ge3A_187 = arith.constant 8 : i32
        %ge3A_188 = vector.broadcast %ge3A_187 : i32 to vector<16xi32>
        %ge3A_189 = arith.cmpi sge, %iota3A, %ge3A_188 : vector<16xi32>
        %jit3A_190 = arith.constant 0 : i32
        %broadcast_in_dim3A_191 = vector.broadcast %jit3A_190 : i32 to vector<16xi32>
        %select_n3A_192 = arith.select %ge3A_189, %gather3A_186, %broadcast_in_dim3A_191 : vector<16xi1>, vector<16xi32>
        %add3A_193 = arith.addi %add3A_177, %select_n3A_192 : vector<16xi32>
        %add3A_194 = arith.addi %scan3A_123, %add3A_193 : vector<16xi32>
        %sub3A_195 = arith.subi %add3A_194, %convert_element_type3A_132 : vector<16xi32>
        %lt3A_196 = vector.broadcast %convert_element_type3A_109 : i32 to vector<16xi32>
        %lt3A_197 = arith.cmpi slt, %sub3A_195, %lt3A_196 : vector<16xi32>
        %and3A_198 = arith.andi %eq3A_131, %lt3A_197 : vector<16xi1>
        %or3A = arith.ori %gt3A_129, %and3A_198 : vector<16xi1>
        %convert_element_type3A_199 = arith.extui %or3A : vector<16xi1> to vector<16xi32>
        %sub3A_200 = arith.constant 1 : i32
        %sub3A_201 = vector.broadcast %sub3A_200 : i32 to vector<16xi32>
        %sub3A_202 = arith.subi %iota3A, %sub3A_201 : vector<16xi32>
        %max3A_203 = arith.constant 0 : i32
        %max3A_204 = vector.broadcast %max3A_203 : i32 to vector<16xi32>
        %max3A_205 = arith.maxsi %sub3A_202, %max3A_204 : vector<16xi32>
        %broadcast_in_dim3A_206 = vector.shape_cast %max3A_205 : vector<16xi32> to vector<16x1xi32>
        %gather3A_207 = vector.shape_cast %broadcast_in_dim3A_206 : vector<16x1xi32> to vector<16xi32>
        %gather3A_208 = tpu.dynamic_gather %convert_element_type3A_199[%gather3A_207] in [0] : vector<16xi32>, vector<16xi32> -> vector<16xi32>
        %ge3A_209 = arith.constant 1 : i32
        %ge3A_210 = vector.broadcast %ge3A_209 : i32 to vector<16xi32>
        %ge3A_211 = arith.cmpi sge, %iota3A, %ge3A_210 : vector<16xi32>
        %jit3A_212 = arith.constant 0 : i32
        %broadcast_in_dim3A_213 = vector.broadcast %jit3A_212 : i32 to vector<16xi32>
        %select_n3A_214 = arith.select %ge3A_211, %gather3A_208, %broadcast_in_dim3A_213 : vector<16xi1>, vector<16xi32>
        %add3A_215 = arith.addi %convert_element_type3A_199, %select_n3A_214 : vector<16xi32>
        %sub3A_216 = arith.constant 2 : i32
        %sub3A_217 = vector.broadcast %sub3A_216 : i32 to vector<16xi32>
        %sub3A_218 = arith.subi %iota3A, %sub3A_217 : vector<16xi32>
        %max3A_219 = arith.constant 0 : i32
        %max3A_220 = vector.broadcast %max3A_219 : i32 to vector<16xi32>
        %max3A_221 = arith.maxsi %sub3A_218, %max3A_220 : vector<16xi32>
        %broadcast_in_dim3A_222 = vector.shape_cast %max3A_221 : vector<16xi32> to vector<16x1xi32>
        %gather3A_223 = vector.shape_cast %broadcast_in_dim3A_222 : vector<16x1xi32> to vector<16xi32>
        %gather3A_224 = tpu.dynamic_gather %add3A_215[%gather3A_223] in [0] : vector<16xi32>, vector<16xi32> -> vector<16xi32>
        %ge3A_225 = arith.constant 2 : i32
        %ge3A_226 = vector.broadcast %ge3A_225 : i32 to vector<16xi32>
        %ge3A_227 = arith.cmpi sge, %iota3A, %ge3A_226 : vector<16xi32>
        %jit3A_228 = arith.constant 0 : i32
        %broadcast_in_dim3A_229 = vector.broadcast %jit3A_228 : i32 to vector<16xi32>
        %select_n3A_230 = arith.select %ge3A_227, %gather3A_224, %broadcast_in_dim3A_229 : vector<16xi1>, vector<16xi32>
        %add3A_231 = arith.addi %add3A_215, %select_n3A_230 : vector<16xi32>
        %sub3A_232 = arith.constant 4 : i32
        %sub3A_233 = vector.broadcast %sub3A_232 : i32 to vector<16xi32>
        %sub3A_234 = arith.subi %iota3A, %sub3A_233 : vector<16xi32>
        %max3A_235 = arith.constant 0 : i32
        %max3A_236 = vector.broadcast %max3A_235 : i32 to vector<16xi32>
        %max3A_237 = arith.maxsi %sub3A_234, %max3A_236 : vector<16xi32>
        %broadcast_in_dim3A_238 = vector.shape_cast %max3A_237 : vector<16xi32> to vector<16x1xi32>
        %gather3A_239 = vector.shape_cast %broadcast_in_dim3A_238 : vector<16x1xi32> to vector<16xi32>
        %gather3A_240 = tpu.dynamic_gather %add3A_231[%gather3A_239] in [0] : vector<16xi32>, vector<16xi32> -> vector<16xi32>
        %ge3A_241 = arith.constant 4 : i32
        %ge3A_242 = vector.broadcast %ge3A_241 : i32 to vector<16xi32>
        %ge3A_243 = arith.cmpi sge, %iota3A, %ge3A_242 : vector<16xi32>
        %jit3A_244 = arith.constant 0 : i32
        %broadcast_in_dim3A_245 = vector.broadcast %jit3A_244 : i32 to vector<16xi32>
        %select_n3A_246 = arith.select %ge3A_243, %gather3A_240, %broadcast_in_dim3A_245 : vector<16xi1>, vector<16xi32>
        %add3A_247 = arith.addi %add3A_231, %select_n3A_246 : vector<16xi32>
        %sub3A_248 = arith.constant 8 : i32
        %sub3A_249 = vector.broadcast %sub3A_248 : i32 to vector<16xi32>
        %sub3A_250 = arith.subi %iota3A, %sub3A_249 : vector<16xi32>
        %max3A_251 = arith.constant 0 : i32
        %max3A_252 = vector.broadcast %max3A_251 : i32 to vector<16xi32>
        %max3A_253 = arith.maxsi %sub3A_250, %max3A_252 : vector<16xi32>
        %broadcast_in_dim3A_254 = vector.shape_cast %max3A_253 : vector<16xi32> to vector<16x1xi32>
        %gather3A_255 = vector.shape_cast %broadcast_in_dim3A_254 : vector<16x1xi32> to vector<16xi32>
        %gather3A_256 = tpu.dynamic_gather %add3A_247[%gather3A_255] in [0] : vector<16xi32>, vector<16xi32> -> vector<16xi32>
        %ge3A_257 = arith.constant 8 : i32
        %ge3A_258 = vector.broadcast %ge3A_257 : i32 to vector<16xi32>
        %ge3A_259 = arith.cmpi sge, %iota3A, %ge3A_258 : vector<16xi32>
        %jit3A_260 = arith.constant 0 : i32
        %broadcast_in_dim3A_261 = vector.broadcast %jit3A_260 : i32 to vector<16xi32>
        %select_n3A_262 = arith.select %ge3A_259, %gather3A_256, %broadcast_in_dim3A_261 : vector<16xi1>, vector<16xi32>
        %add3A_263 = arith.addi %add3A_247, %select_n3A_262 : vector<16xi32>
        %add3A_264 = arith.addi %scan3A_122, %add3A_263 : vector<16xi32>
        %sub3A_265 = arith.subi %add3A_264, %convert_element_type3A_199 : vector<16xi32>
        %add3A_266 = vector.broadcast %multiple_of3A_126 : i32 to vector<16xi32>
        %add3A_267 = arith.addi %add3A_266, %iota3A : vector<16xi32>
        tpu.vector_store_idx %arg7[%sub3A_265], %add3A_267 masked %or3A : memref<4096xi32, #tpu.memory_space<vmem>>[vector<16xi32>], vector<16xi32>, vector<16xi1>
        %all_reduce_population_count3A = tpu.all_reduce %or3A {dim = 0 : i64, kind = #tpu.reduction_kind<sum>} : vector<16xi1> -> vector<16xi32>
        %add3A_268 = arith.addi %scan3A_122, %all_reduce_population_count3A : vector<16xi32>
        %all_reduce_population_count3A_269 = tpu.all_reduce %eq3A_131 {dim = 0 : i64, kind = #tpu.reduction_kind<sum>} : vector<16xi1> -> vector<16xi32>
        %add3A_270 = arith.addi %scan3A_123, %all_reduce_population_count3A_269 : vector<16xi32>
        scf.yield %add3A_268, %add3A_270 : vector<16xi32>, vector<16xi32>
      }
      %scan3A_115 = arith.constant 256 : i32
      %mul3A_116 = arith.constant 8 : i32
      %mul3A_117 = arith.muli %select_n3A, %mul3A_116 : i32
      %mul3A_118 = arith.constant 512 : i32
      %mul3A_119 = arith.muli %mul3A_117, %mul3A_118 : i32
      %multiple_of3A_120 = tpu.assume_multiple %mul3A_119, 128 : i32
      "tpu.region"() ({
        %run_scoped3A_121 = tpu.sem_alloc : memref<!tpu.dma_semaphore, #tpu.memory_space<semaphore_mem>>
        %dma_start3A_122 = tpu.memref_slice %arg12[%multiple_of3A_120] : memref<8192xi32, #tpu.memory_space<vmem_shared>> -> memref<4096xi32, #tpu.memory_space<vmem_shared>>
        %dma_start3A_123 = tpu.memref_slice %arg12[%multiple_of3A_120] : memref<8192xi32, #tpu.memory_space<vmem_shared>> -> memref<4096xi32, #tpu.memory_space<vmem_shared>>
        tpu.enqueue_dma source(%arg7 : memref<4096xi32, #tpu.memory_space<vmem>>) target(%dma_start3A_123 : memref<4096xi32, #tpu.memory_space<vmem_shared>>) target_semaphore(%run_scoped3A_121 : memref<!tpu.dma_semaphore, #tpu.memory_space<semaphore_mem>>)
        %dma_wait3A = tpu.memref_slice %arg12[%multiple_of3A_120] : memref<8192xi32, #tpu.memory_space<vmem_shared>> -> memref<4096xi32, #tpu.memory_space<vmem_shared>>
        %dma_wait3A_124 = tpu.memref_slice %arg12[%multiple_of3A_120] : memref<8192xi32, #tpu.memory_space<vmem_shared>> -> memref<4096xi32, #tpu.memory_space<vmem_shared>>
        tpu.wait_dma2 semaphore(%run_scoped3A_121 : memref<!tpu.dma_semaphore, #tpu.memory_space<semaphore_mem>>) src(%arg7 : memref<4096xi32, #tpu.memory_space<vmem>>) dst(%dma_wait3A_124 : memref<4096xi32, #tpu.memory_space<vmem_shared>>)
        tpu.yield
      }) : () -> ()
    } else {
    }
    %barrier3A = arith.constant 0 : index
    tpu.barrier barrier_id(%barrier3A)
    %mul3A_34 = arith.constant 8 : i32
    %mul3A_35 = arith.muli %select_n3A, %mul3A_34 : i32
    %add3A_36 = arith.addi %mul3A_35, %select_n3A_30 : i32
    %mul3A_37 = arith.constant 512 : i32
    %mul3A_38 = arith.muli %add3A_36, %mul3A_37 : i32
    %multiple_of3A = tpu.assume_multiple %mul3A_38, 128 : i32
    "tpu.region"() ({
      %run_scoped3A = tpu.sem_alloc : memref<!tpu.dma_semaphore, #tpu.memory_space<semaphore_mem>>
      %dma_start3A_104 = tpu.memref_slice %arg12[%multiple_of3A] : memref<8192xi32, #tpu.memory_space<vmem_shared>> -> memref<512xi32, #tpu.memory_space<vmem_shared>>
      %dma_start3A_105 = tpu.memref_slice %arg12[%multiple_of3A] : memref<8192xi32, #tpu.memory_space<vmem_shared>> -> memref<512xi32, #tpu.memory_space<vmem_shared>>
      tpu.enqueue_dma source(%dma_start3A_105 : memref<512xi32, #tpu.memory_space<vmem_shared>>) target(%arg9 : memref<512xi32, #tpu.memory_space<vmem>>) target_semaphore(%run_scoped3A : memref<!tpu.dma_semaphore, #tpu.memory_space<semaphore_mem>>)
      %dma_wait3A = tpu.memref_slice %arg12[%multiple_of3A] : memref<8192xi32, #tpu.memory_space<vmem_shared>> -> memref<512xi32, #tpu.memory_space<vmem_shared>>
      %dma_wait3A_106 = tpu.memref_slice %arg12[%multiple_of3A] : memref<8192xi32, #tpu.memory_space<vmem_shared>> -> memref<512xi32, #tpu.memory_space<vmem_shared>>
      tpu.wait_dma2 semaphore(%run_scoped3A : memref<!tpu.dma_semaphore, #tpu.memory_space<semaphore_mem>>) src(%dma_wait3A_106 : memref<512xi32, #tpu.memory_space<vmem_shared>>) dst(%arg9 : memref<512xi32, #tpu.memory_space<vmem>>)
      tpu.yield
    }) : () -> ()
    %mul3A_39 = arith.constant 512 : i32
    %mul3A_40 = arith.muli %select_n3A_30, %mul3A_39 : i32
    %eq3A_41 = arith.constant 7 : i32
    %eq3A_42 = arith.cmpi eq, %select_n3A_30, %eq3A_41 : i32
    %jit3A_43 = arith.constant 6 : i32
    %jit3A_44 = arith.constant 32 : i32
    %select_n3A_45 = arith.select %eq3A_42, %jit3A_43, %jit3A_44 : i32
    %multiple_of3A_46 = arith.constant 0 : i32
    %multiple_of3A_47 = tpu.assume_multiple %multiple_of3A_46, 16 : i32
    %get3A = arith.index_cast %multiple_of3A_47 : i32 to index
    %get3A_48 = tpu.vector_load %arg9[%get3A] {strides = array<i32>} : memref<512xi32, #tpu.memory_space<vmem>>, vector<16xi32>,
    %dma_start3A = arith.constant 0 : i32
    %dma_start3A_49 = arith.constant 0 : i32
    %dma_start3A_50 = tpu.memref_slice %arg2[%add3A, %dma_start3A, %dma_start3A_49] : memref<4x4096x2048xf32, #tpu.memory_space<hbm>> -> memref<1x4096x2048xf32, #tpu.memory_space<hbm>>
    %dma_start3A_51 = tpu.memref_squeeze %dma_start3A_50 : memref<1x4096x2048xf32, #tpu.memory_space<hbm>> -> memref<4096x2048xf32, #tpu.memory_space<hbm>>
    %dma_start3A_52 = arith.constant 0 : i32
    %dma_start3A_53 = arith.constant 0 : i32
    %dma_start3A_54 = tpu.memref_slice %dma_start3A_51[%dma_start3A_52, %dma_start3A_53] : memref<4096x2048xf32, #tpu.memory_space<hbm>> -> memref<4096x2048xf32, #tpu.memory_space<hbm>>
    tpu.enqueue_indirect_dma source(%dma_start3A_54 : memref<4096x2048xf32, #tpu.memory_space<hbm>>) target(%arg10 : memref<16x2048xf32, #tpu.memory_space<vmem>>) offsets(%get3A_48 : vector<16xi32>) semaphore(%arg13 : memref<!tpu.dma_semaphore, #tpu.memory_space<semaphore_mem>>)
    %multiple_of3A_55 = arith.constant 16 : i32
    %multiple_of3A_56 = tpu.assume_multiple %multiple_of3A_55, 16 : i32
    %get3A_57 = arith.index_cast %multiple_of3A_56 : i32 to index
    %get3A_58 = tpu.vector_load %arg9[%get3A_57] {strides = array<i32>} : memref<512xi32, #tpu.memory_space<vmem>>, vector<16xi32>,
    %dma_start3A_59 = arith.constant 0 : i32
    %dma_start3A_60 = arith.constant 0 : i32
    %dma_start3A_61 = tpu.memref_slice %arg2[%add3A, %dma_start3A_59, %dma_start3A_60] : memref<4x4096x2048xf32, #tpu.memory_space<hbm>> -> memref<1x4096x2048xf32, #tpu.memory_space<hbm>>
    %dma_start3A_62 = tpu.memref_squeeze %dma_start3A_61 : memref<1x4096x2048xf32, #tpu.memory_space<hbm>> -> memref<4096x2048xf32, #tpu.memory_space<hbm>>
    %dma_start3A_63 = arith.constant 0 : i32
    %dma_start3A_64 = arith.constant 0 : i32
    %dma_start3A_65 = tpu.memref_slice %dma_start3A_62[%dma_start3A_63, %dma_start3A_64] : memref<4096x2048xf32, #tpu.memory_space<hbm>> -> memref<4096x2048xf32, #tpu.memory_space<hbm>>
    tpu.enqueue_indirect_dma source(%dma_start3A_65 : memref<4096x2048xf32, #tpu.memory_space<hbm>>) target(%arg11 : memref<16x2048xf32, #tpu.memory_space<vmem>>) offsets(%get3A_58 : vector<16xi32>) semaphore(%arg14 : memref<!tpu.dma_semaphore, #tpu.memory_space<semaphore_mem>>)
    %jit3A_66 = arith.constant 2 : i32
    %div3A_67 = arith.divsi %select_n3A_45, %jit3A_66 : i32
    %sign3A_68 = arith.constant 0 : i32
    %sign3A_69 = arith.cmpi sgt, %select_n3A_45, %sign3A_68 : i32
    %sign3A_70 = arith.extui %sign3A_69 : i1 to i32
    %sign3A_71 = arith.constant 0 : i32
    %sign3A_72 = arith.cmpi slt, %select_n3A_45, %sign3A_71 : i32
    %sign3A_73 = arith.extui %sign3A_72 : i1 to i32
    %sign3A_74 = arith.subi %sign3A_70, %sign3A_73 : i32
    %sign3A_75 = arith.constant 0 : i32
    %sign3A_76 = arith.cmpi sgt, %jit3A_66, %sign3A_75 : i32
    %sign3A_77 = arith.extui %sign3A_76 : i1 to i32
    %sign3A_78 = arith.constant 0 : i32
    %sign3A_79 = arith.cmpi slt, %jit3A_66, %sign3A_78 : i32
    %sign3A_80 = arith.extui %sign3A_79 : i1 to i32
    %sign3A_81 = arith.subi %sign3A_77, %sign3A_80 : i32
    %ne3A_82 = arith.cmpi ne, %sign3A_74, %sign3A_81 : i32
    %rem3A_83 = arith.remsi %select_n3A_45, %jit3A_66 : i32
    %ne3A_84 = arith.constant 0 : i32
    %ne3A_85 = arith.cmpi ne, %rem3A_83, %ne3A_84 : i32
    %and3A_86 = arith.andi %ne3A_82, %ne3A_85 : i1
    %sub3A_87 = arith.constant 1 : i32
    %sub3A_88 = arith.subi %div3A_67, %sub3A_87 : i32
    %select_n3A_89 = arith.select %and3A_86, %sub3A_88, %div3A_67 : i32
    %while3A = arith.constant 0 : i32
    %while3A_90 = arith.constant 0 : i32
    %while3A_91 = arith.subi %select_n3A_89, %while3A_90 : i32
    %while3A_92 = arith.addi %while3A_90, %while3A_91 : i32
    %while3A_93 = arith.constant 1 : i32
    %while3A_94 = arith.divsi %while3A_91, %while3A_93 : i32
    %while3A_95 = arith.muli %while3A_94, %while3A_93 : i32
    %while3A_96 = arith.addi %while3A_90, %while3A_95 : i32
    %while3A_97 = arith.constant 1 : i32
    scf.for %while3A_104 = %while3A_90 to %while3A_96 step %while3A_97  : i32 {
      %mul3A_105 = arith.constant 2 : i32
      %mul3A_106 = arith.muli %while3A_104, %mul3A_105 : i32
      %dma_wait3A = arith.constant 0 : i32
      %dma_wait3A_107 = arith.constant 0 : i32
      %dma_wait3A_108 = tpu.memref_slice %arg2[%add3A, %dma_wait3A, %dma_wait3A_107] : memref<4x4096x2048xf32, #tpu.memory_space<hbm>> -> memref<1x16x2048xf32, #tpu.memory_space<hbm>>
      %dma_wait3A_109 = tpu.memref_squeeze %dma_wait3A_108 : memref<1x16x2048xf32, #tpu.memory_space<hbm>> -> memref<16x2048xf32, #tpu.memory_space<hbm>>
      %dma_wait3A_110 = arith.constant 0 : i32
      %dma_wait3A_111 = arith.constant 0 : i32
      %dma_wait3A_112 = tpu.memref_slice %arg2[%add3A, %dma_wait3A_110, %dma_wait3A_111] : memref<4x4096x2048xf32, #tpu.memory_space<hbm>> -> memref<1x16x2048xf32, #tpu.memory_space<hbm>>
      %dma_wait3A_113 = tpu.memref_squeeze %dma_wait3A_112 : memref<1x16x2048xf32, #tpu.memory_space<hbm>> -> memref<16x2048xf32, #tpu.memory_space<hbm>>
      tpu.wait_dma2 semaphore(%arg13 : memref<!tpu.dma_semaphore, #tpu.memory_space<semaphore_mem>>) src(%dma_wait3A_113 : memref<16x2048xf32, #tpu.memory_space<hbm>>) dst(%arg10 : memref<16x2048xf32, #tpu.memory_space<vmem>>)
      %mul3A_114 = arith.constant 16 : i32
      %mul3A_115 = arith.muli %mul3A_106, %mul3A_114 : i32
      %multiple_of3A_116 = tpu.assume_multiple %mul3A_115, 16 : i32
      %add3A_117 = arith.addi %mul3A_40, %multiple_of3A_116 : i32
      %multiple_of3A_118 = tpu.assume_multiple %add3A_117, 16 : i32
      "tpu.region"() ({
        %run_scoped3A = tpu.sem_alloc : memref<!tpu.dma_semaphore, #tpu.memory_space<semaphore_mem>>
        %dma_start3A_146 = arith.constant 0 : i32
        %dma_start3A_147 = tpu.memref_slice %arg5[%add3A, %multiple_of3A_118, %dma_start3A_146] : memref<4x3686x2048xf32, #tpu.memory_space<hbm>> -> memref<1x16x2048xf32, #tpu.memory_space<hbm>>
        %dma_start3A_148 = tpu.memref_squeeze %dma_start3A_147 : memref<1x16x2048xf32, #tpu.memory_space<hbm>> -> memref<16x2048xf32, #tpu.memory_space<hbm>>
        %dma_start3A_149 = arith.constant 0 : i32
        %dma_start3A_150 = tpu.memref_slice %arg5[%add3A, %multiple_of3A_118, %dma_start3A_149] : memref<4x3686x2048xf32, #tpu.memory_space<hbm>> -> memref<1x16x2048xf32, #tpu.memory_space<hbm>>
        %dma_start3A_151 = tpu.memref_squeeze %dma_start3A_150 : memref<1x16x2048xf32, #tpu.memory_space<hbm>> -> memref<16x2048xf32, #tpu.memory_space<hbm>>
        tpu.enqueue_dma source(%arg10 : memref<16x2048xf32, #tpu.memory_space<vmem>>) target(%dma_start3A_151 : memref<16x2048xf32, #tpu.memory_space<hbm>>) target_semaphore(%run_scoped3A : memref<!tpu.dma_semaphore, #tpu.memory_space<semaphore_mem>>)
        %dma_wait3A_152 = arith.constant 0 : i32
        %dma_wait3A_153 = tpu.memref_slice %arg5[%add3A, %multiple_of3A_118, %dma_wait3A_152] : memref<4x3686x2048xf32, #tpu.memory_space<hbm>> -> memref<1x16x2048xf32, #tpu.memory_space<hbm>>
        %dma_wait3A_154 = tpu.memref_squeeze %dma_wait3A_153 : memref<1x16x2048xf32, #tpu.memory_space<hbm>> -> memref<16x2048xf32, #tpu.memory_space<hbm>>
        %dma_wait3A_155 = arith.constant 0 : i32
        %dma_wait3A_156 = tpu.memref_slice %arg5[%add3A, %multiple_of3A_118, %dma_wait3A_155] : memref<4x3686x2048xf32, #tpu.memory_space<hbm>> -> memref<1x16x2048xf32, #tpu.memory_space<hbm>>
        %dma_wait3A_157 = tpu.memref_squeeze %dma_wait3A_156 : memref<1x16x2048xf32, #tpu.memory_space<hbm>> -> memref<16x2048xf32, #tpu.memory_space<hbm>>
        tpu.wait_dma2 semaphore(%run_scoped3A : memref<!tpu.dma_semaphore, #tpu.memory_space<semaphore_mem>>) src(%arg10 : memref<16x2048xf32, #tpu.memory_space<vmem>>) dst(%dma_wait3A_157 : memref<16x2048xf32, #tpu.memory_space<hbm>>)
        tpu.yield
      }) : () -> ()
      %add3A_119 = arith.constant 2 : i32
      %add3A_120 = arith.addi %mul3A_106, %add3A_119 : i32
      %lt3A_121 = arith.cmpi slt, %add3A_120, %select_n3A_45 : i32
      %convert_element_type3A_122 = arith.extui %lt3A_121 : i1 to i32
      %cond3A_123 = arith.constant 0 : i32
      %cond3A_124 = arith.cmpi ne, %convert_element_type3A_122, %cond3A_123 : i32
      scf.if %cond3A_124 {
        %add3A_146 = arith.constant 2 : i32
        %add3A_147 = arith.addi %mul3A_106, %add3A_146 : i32
        %mul3A_148 = arith.constant 16 : i32
        %mul3A_149 = arith.muli %add3A_147, %mul3A_148 : i32
        %multiple_of3A_150 = tpu.assume_multiple %mul3A_149, 16 : i32
        %get3A_151 = arith.index_cast %multiple_of3A_150 : i32 to index
        %get3A_152 = tpu.vector_load %arg9[%get3A_151] {strides = array<i32>} : memref<512xi32, #tpu.memory_space<vmem>>, vector<16xi32>,
        %dma_start3A_153 = arith.constant 0 : i32
        %dma_start3A_154 = arith.constant 0 : i32
        %dma_start3A_155 = tpu.memref_slice %arg2[%add3A, %dma_start3A_153, %dma_start3A_154] : memref<4x4096x2048xf32, #tpu.memory_space<hbm>> -> memref<1x4096x2048xf32, #tpu.memory_space<hbm>>
        %dma_start3A_156 = tpu.memref_squeeze %dma_start3A_155 : memref<1x4096x2048xf32, #tpu.memory_space<hbm>> -> memref<4096x2048xf32, #tpu.memory_space<hbm>>
        %dma_start3A_157 = arith.constant 0 : i32
        %dma_start3A_158 = arith.constant 0 : i32
        %dma_start3A_159 = tpu.memref_slice %dma_start3A_156[%dma_start3A_157, %dma_start3A_158] : memref<4096x2048xf32, #tpu.memory_space<hbm>> -> memref<4096x2048xf32, #tpu.memory_space<hbm>>
        tpu.enqueue_indirect_dma source(%dma_start3A_159 : memref<4096x2048xf32, #tpu.memory_space<hbm>>) target(%arg10 : memref<16x2048xf32, #tpu.memory_space<vmem>>) offsets(%get3A_152 : vector<16xi32>) semaphore(%arg13 : memref<!tpu.dma_semaphore, #tpu.memory_space<semaphore_mem>>)
      } else {
      }
      %dma_wait3A_125 = arith.constant 0 : i32
      %dma_wait3A_126 = arith.constant 0 : i32
      %dma_wait3A_127 = tpu.memref_slice %arg2[%add3A, %dma_wait3A_125, %dma_wait3A_126] : memref<4x4096x2048xf32, #tpu.memory_space<hbm>> -> memref<1x16x2048xf32, #tpu.memory_space<hbm>>
      %dma_wait3A_128 = tpu.memref_squeeze %dma_wait3A_127 : memref<1x16x2048xf32, #tpu.memory_space<hbm>> -> memref<16x2048xf32, #tpu.memory_space<hbm>>
      %dma_wait3A_129 = arith.constant 0 : i32
      %dma_wait3A_130 = arith.constant 0 : i32
      %dma_wait3A_131 = tpu.memref_slice %arg2[%add3A, %dma_wait3A_129, %dma_wait3A_130] : memref<4x4096x2048xf32, #tpu.memory_space<hbm>> -> memref<1x16x2048xf32, #tpu.memory_space<hbm>>
      %dma_wait3A_132 = tpu.memref_squeeze %dma_wait3A_131 : memref<1x16x2048xf32, #tpu.memory_space<hbm>> -> memref<16x2048xf32, #tpu.memory_space<hbm>>
      tpu.wait_dma2 semaphore(%arg14 : memref<!tpu.dma_semaphore, #tpu.memory_space<semaphore_mem>>) src(%dma_wait3A_132 : memref<16x2048xf32, #tpu.memory_space<hbm>>) dst(%arg11 : memref<16x2048xf32, #tpu.memory_space<vmem>>)
      %add3A_133 = arith.constant 1 : i32
      %add3A_134 = arith.addi %mul3A_106, %add3A_133 : i32
      %mul3A_135 = arith.constant 16 : i32
      %mul3A_136 = arith.muli %add3A_134, %mul3A_135 : i32
      %multiple_of3A_137 = tpu.assume_multiple %mul3A_136, 16 : i32
      %add3A_138 = arith.addi %mul3A_40, %multiple_of3A_137 : i32
      %multiple_of3A_139 = tpu.assume_multiple %add3A_138, 16 : i32
      "tpu.region"() ({
        %run_scoped3A = tpu.sem_alloc : memref<!tpu.dma_semaphore, #tpu.memory_space<semaphore_mem>>
        %dma_start3A_146 = arith.constant 0 : i32
        %dma_start3A_147 = tpu.memref_slice %arg5[%add3A, %multiple_of3A_139, %dma_start3A_146] : memref<4x3686x2048xf32, #tpu.memory_space<hbm>> -> memref<1x16x2048xf32, #tpu.memory_space<hbm>>
        %dma_start3A_148 = tpu.memref_squeeze %dma_start3A_147 : memref<1x16x2048xf32, #tpu.memory_space<hbm>> -> memref<16x2048xf32, #tpu.memory_space<hbm>>
        %dma_start3A_149 = arith.constant 0 : i32
        %dma_start3A_150 = tpu.memref_slice %arg5[%add3A, %multiple_of3A_139, %dma_start3A_149] : memref<4x3686x2048xf32, #tpu.memory_space<hbm>> -> memref<1x16x2048xf32, #tpu.memory_space<hbm>>
        %dma_start3A_151 = tpu.memref_squeeze %dma_start3A_150 : memref<1x16x2048xf32, #tpu.memory_space<hbm>> -> memref<16x2048xf32, #tpu.memory_space<hbm>>
        tpu.enqueue_dma source(%arg11 : memref<16x2048xf32, #tpu.memory_space<vmem>>) target(%dma_start3A_151 : memref<16x2048xf32, #tpu.memory_space<hbm>>) target_semaphore(%run_scoped3A : memref<!tpu.dma_semaphore, #tpu.memory_space<semaphore_mem>>)
        %dma_wait3A_152 = arith.constant 0 : i32
        %dma_wait3A_153 = tpu.memref_slice %arg5[%add3A, %multiple_of3A_139, %dma_wait3A_152] : memref<4x3686x2048xf32, #tpu.memory_space<hbm>> -> memref<1x16x2048xf32, #tpu.memory_space<hbm>>
        %dma_wait3A_154 = tpu.memref_squeeze %dma_wait3A_153 : memref<1x16x2048xf32, #tpu.memory_space<hbm>> -> memref<16x2048xf32, #tpu.memory_space<hbm>>
        %dma_wait3A_155 = arith.constant 0 : i32
        %dma_wait3A_156 = tpu.memref_slice %arg5[%add3A, %multiple_of3A_139, %dma_wait3A_155] : memref<4x3686x2048xf32, #tpu.memory_space<hbm>> -> memref<1x16x2048xf32, #tpu.memory_space<hbm>>
        %dma_wait3A_157 = tpu.memref_squeeze %dma_wait3A_156 : memref<1x16x2048xf32, #tpu.memory_space<hbm>> -> memref<16x2048xf32, #tpu.memory_space<hbm>>
        tpu.wait_dma2 semaphore(%run_scoped3A : memref<!tpu.dma_semaphore, #tpu.memory_space<semaphore_mem>>) src(%arg11 : memref<16x2048xf32, #tpu.memory_space<vmem>>) dst(%dma_wait3A_157 : memref<16x2048xf32, #tpu.memory_space<hbm>>)
        tpu.yield
      }) : () -> ()
      %add3A_140 = arith.constant 3 : i32
      %add3A_141 = arith.addi %mul3A_106, %add3A_140 : i32
      %lt3A_142 = arith.cmpi slt, %add3A_141, %select_n3A_45 : i32
      %convert_element_type3A_143 = arith.extui %lt3A_142 : i1 to i32
      %cond3A_144 = arith.constant 0 : i32
      %cond3A_145 = arith.cmpi ne, %convert_element_type3A_143, %cond3A_144 : i32
      scf.if %cond3A_145 {
        %add3A_146 = arith.constant 3 : i32
        %add3A_147 = arith.addi %mul3A_106, %add3A_146 : i32
        %mul3A_148 = arith.constant 16 : i32
        %mul3A_149 = arith.muli %add3A_147, %mul3A_148 : i32
        %multiple_of3A_150 = tpu.assume_multiple %mul3A_149, 16 : i32
        %get3A_151 = arith.index_cast %multiple_of3A_150 : i32 to index
        %get3A_152 = tpu.vector_load %arg9[%get3A_151] {strides = array<i32>} : memref<512xi32, #tpu.memory_space<vmem>>, vector<16xi32>,
        %dma_start3A_153 = arith.constant 0 : i32
        %dma_start3A_154 = arith.constant 0 : i32
        %dma_start3A_155 = tpu.memref_slice %arg2[%add3A, %dma_start3A_153, %dma_start3A_154] : memref<4x4096x2048xf32, #tpu.memory_space<hbm>> -> memref<1x4096x2048xf32, #tpu.memory_space<hbm>>
        %dma_start3A_156 = tpu.memref_squeeze %dma_start3A_155 : memref<1x4096x2048xf32, #tpu.memory_space<hbm>> -> memref<4096x2048xf32, #tpu.memory_space<hbm>>
        %dma_start3A_157 = arith.constant 0 : i32
        %dma_start3A_158 = arith.constant 0 : i32
        %dma_start3A_159 = tpu.memref_slice %dma_start3A_156[%dma_start3A_157, %dma_start3A_158] : memref<4096x2048xf32, #tpu.memory_space<hbm>> -> memref<4096x2048xf32, #tpu.memory_space<hbm>>
        tpu.enqueue_indirect_dma source(%dma_start3A_159 : memref<4096x2048xf32, #tpu.memory_space<hbm>>) target(%arg11 : memref<16x2048xf32, #tpu.memory_space<vmem>>) offsets(%get3A_152 : vector<16xi32>) semaphore(%arg14 : memref<!tpu.dma_semaphore, #tpu.memory_space<semaphore_mem>>)
      } else {
      }
    }
    %while3A_98 = arith.constant 1 : i32
    scf.for %while3A_104 = %while3A_96 to %while3A_92 step %while3A_98  : i32 {
      %mul3A_105 = arith.constant 2 : i32
      %mul3A_106 = arith.muli %while3A_104, %mul3A_105 : i32
      %dma_wait3A = arith.constant 0 : i32
      %dma_wait3A_107 = arith.constant 0 : i32
      %dma_wait3A_108 = tpu.memref_slice %arg2[%add3A, %dma_wait3A, %dma_wait3A_107] : memref<4x4096x2048xf32, #tpu.memory_space<hbm>> -> memref<1x16x2048xf32, #tpu.memory_space<hbm>>
      %dma_wait3A_109 = tpu.memref_squeeze %dma_wait3A_108 : memref<1x16x2048xf32, #tpu.memory_space<hbm>> -> memref<16x2048xf32, #tpu.memory_space<hbm>>
      %dma_wait3A_110 = arith.constant 0 : i32
      %dma_wait3A_111 = arith.constant 0 : i32
      %dma_wait3A_112 = tpu.memref_slice %arg2[%add3A, %dma_wait3A_110, %dma_wait3A_111] : memref<4x4096x2048xf32, #tpu.memory_space<hbm>> -> memref<1x16x2048xf32, #tpu.memory_space<hbm>>
      %dma_wait3A_113 = tpu.memref_squeeze %dma_wait3A_112 : memref<1x16x2048xf32, #tpu.memory_space<hbm>> -> memref<16x2048xf32, #tpu.memory_space<hbm>>
      tpu.wait_dma2 semaphore(%arg13 : memref<!tpu.dma_semaphore, #tpu.memory_space<semaphore_mem>>) src(%dma_wait3A_113 : memref<16x2048xf32, #tpu.memory_space<hbm>>) dst(%arg10 : memref<16x2048xf32, #tpu.memory_space<vmem>>)
      %mul3A_114 = arith.constant 16 : i32
      %mul3A_115 = arith.muli %mul3A_106, %mul3A_114 : i32
      %multiple_of3A_116 = tpu.assume_multiple %mul3A_115, 16 : i32
      %add3A_117 = arith.addi %mul3A_40, %multiple_of3A_116 : i32
      %multiple_of3A_118 = tpu.assume_multiple %add3A_117, 16 : i32
      "tpu.region"() ({
        %run_scoped3A = tpu.sem_alloc : memref<!tpu.dma_semaphore, #tpu.memory_space<semaphore_mem>>
        %dma_start3A_146 = arith.constant 0 : i32
        %dma_start3A_147 = tpu.memref_slice %arg5[%add3A, %multiple_of3A_118, %dma_start3A_146] : memref<4x3686x2048xf32, #tpu.memory_space<hbm>> -> memref<1x16x2048xf32, #tpu.memory_space<hbm>>
        %dma_start3A_148 = tpu.memref_squeeze %dma_start3A_147 : memref<1x16x2048xf32, #tpu.memory_space<hbm>> -> memref<16x2048xf32, #tpu.memory_space<hbm>>
        %dma_start3A_149 = arith.constant 0 : i32
        %dma_start3A_150 = tpu.memref_slice %arg5[%add3A, %multiple_of3A_118, %dma_start3A_149] : memref<4x3686x2048xf32, #tpu.memory_space<hbm>> -> memref<1x16x2048xf32, #tpu.memory_space<hbm>>
        %dma_start3A_151 = tpu.memref_squeeze %dma_start3A_150 : memref<1x16x2048xf32, #tpu.memory_space<hbm>> -> memref<16x2048xf32, #tpu.memory_space<hbm>>
        tpu.enqueue_dma source(%arg10 : memref<16x2048xf32, #tpu.memory_space<vmem>>) target(%dma_start3A_151 : memref<16x2048xf32, #tpu.memory_space<hbm>>) target_semaphore(%run_scoped3A : memref<!tpu.dma_semaphore, #tpu.memory_space<semaphore_mem>>)
        %dma_wait3A_152 = arith.constant 0 : i32
        %dma_wait3A_153 = tpu.memref_slice %arg5[%add3A, %multiple_of3A_118, %dma_wait3A_152] : memref<4x3686x2048xf32, #tpu.memory_space<hbm>> -> memref<1x16x2048xf32, #tpu.memory_space<hbm>>
        %dma_wait3A_154 = tpu.memref_squeeze %dma_wait3A_153 : memref<1x16x2048xf32, #tpu.memory_space<hbm>> -> memref<16x2048xf32, #tpu.memory_space<hbm>>
        %dma_wait3A_155 = arith.constant 0 : i32
        %dma_wait3A_156 = tpu.memref_slice %arg5[%add3A, %multiple_of3A_118, %dma_wait3A_155] : memref<4x3686x2048xf32, #tpu.memory_space<hbm>> -> memref<1x16x2048xf32, #tpu.memory_space<hbm>>
        %dma_wait3A_157 = tpu.memref_squeeze %dma_wait3A_156 : memref<1x16x2048xf32, #tpu.memory_space<hbm>> -> memref<16x2048xf32, #tpu.memory_space<hbm>>
        tpu.wait_dma2 semaphore(%run_scoped3A : memref<!tpu.dma_semaphore, #tpu.memory_space<semaphore_mem>>) src(%arg10 : memref<16x2048xf32, #tpu.memory_space<vmem>>) dst(%dma_wait3A_157 : memref<16x2048xf32, #tpu.memory_space<hbm>>)
        tpu.yield
      }) : () -> ()
      %add3A_119 = arith.constant 2 : i32
      %add3A_120 = arith.addi %mul3A_106, %add3A_119 : i32
      %lt3A_121 = arith.cmpi slt, %add3A_120, %select_n3A_45 : i32
      %convert_element_type3A_122 = arith.extui %lt3A_121 : i1 to i32
      %cond3A_123 = arith.constant 0 : i32
      %cond3A_124 = arith.cmpi ne, %convert_element_type3A_122, %cond3A_123 : i32
      scf.if %cond3A_124 {
        %add3A_146 = arith.constant 2 : i32
        %add3A_147 = arith.addi %mul3A_106, %add3A_146 : i32
        %mul3A_148 = arith.constant 16 : i32
        %mul3A_149 = arith.muli %add3A_147, %mul3A_148 : i32
        %multiple_of3A_150 = tpu.assume_multiple %mul3A_149, 16 : i32
        %get3A_151 = arith.index_cast %multiple_of3A_150 : i32 to index
        %get3A_152 = tpu.vector_load %arg9[%get3A_151] {strides = array<i32>} : memref<512xi32, #tpu.memory_space<vmem>>, vector<16xi32>,
        %dma_start3A_153 = arith.constant 0 : i32
        %dma_start3A_154 = arith.constant 0 : i32
        %dma_start3A_155 = tpu.memref_slice %arg2[%add3A, %dma_start3A_153, %dma_start3A_154] : memref<4x4096x2048xf32, #tpu.memory_space<hbm>> -> memref<1x4096x2048xf32, #tpu.memory_space<hbm>>
        %dma_start3A_156 = tpu.memref_squeeze %dma_start3A_155 : memref<1x4096x2048xf32, #tpu.memory_space<hbm>> -> memref<4096x2048xf32, #tpu.memory_space<hbm>>
        %dma_start3A_157 = arith.constant 0 : i32
        %dma_start3A_158 = arith.constant 0 : i32
        %dma_start3A_159 = tpu.memref_slice %dma_start3A_156[%dma_start3A_157, %dma_start3A_158] : memref<4096x2048xf32, #tpu.memory_space<hbm>> -> memref<4096x2048xf32, #tpu.memory_space<hbm>>
        tpu.enqueue_indirect_dma source(%dma_start3A_159 : memref<4096x2048xf32, #tpu.memory_space<hbm>>) target(%arg10 : memref<16x2048xf32, #tpu.memory_space<vmem>>) offsets(%get3A_152 : vector<16xi32>) semaphore(%arg13 : memref<!tpu.dma_semaphore, #tpu.memory_space<semaphore_mem>>)
      } else {
      }
      %dma_wait3A_125 = arith.constant 0 : i32
      %dma_wait3A_126 = arith.constant 0 : i32
      %dma_wait3A_127 = tpu.memref_slice %arg2[%add3A, %dma_wait3A_125, %dma_wait3A_126] : memref<4x4096x2048xf32, #tpu.memory_space<hbm>> -> memref<1x16x2048xf32, #tpu.memory_space<hbm>>
      %dma_wait3A_128 = tpu.memref_squeeze %dma_wait3A_127 : memref<1x16x2048xf32, #tpu.memory_space<hbm>> -> memref<16x2048xf32, #tpu.memory_space<hbm>>
      %dma_wait3A_129 = arith.constant 0 : i32
      %dma_wait3A_130 = arith.constant 0 : i32
      %dma_wait3A_131 = tpu.memref_slice %arg2[%add3A, %dma_wait3A_129, %dma_wait3A_130] : memref<4x4096x2048xf32, #tpu.memory_space<hbm>> -> memref<1x16x2048xf32, #tpu.memory_space<hbm>>
      %dma_wait3A_132 = tpu.memref_squeeze %dma_wait3A_131 : memref<1x16x2048xf32, #tpu.memory_space<hbm>> -> memref<16x2048xf32, #tpu.memory_space<hbm>>
      tpu.wait_dma2 semaphore(%arg14 : memref<!tpu.dma_semaphore, #tpu.memory_space<semaphore_mem>>) src(%dma_wait3A_132 : memref<16x2048xf32, #tpu.memory_space<hbm>>) dst(%arg11 : memref<16x2048xf32, #tpu.memory_space<vmem>>)
      %add3A_133 = arith.constant 1 : i32
      %add3A_134 = arith.addi %mul3A_106, %add3A_133 : i32
      %mul3A_135 = arith.constant 16 : i32
      %mul3A_136 = arith.muli %add3A_134, %mul3A_135 : i32
      %multiple_of3A_137 = tpu.assume_multiple %mul3A_136, 16 : i32
      %add3A_138 = arith.addi %mul3A_40, %multiple_of3A_137 : i32
      %multiple_of3A_139 = tpu.assume_multiple %add3A_138, 16 : i32
      "tpu.region"() ({
        %run_scoped3A = tpu.sem_alloc : memref<!tpu.dma_semaphore, #tpu.memory_space<semaphore_mem>>
        %dma_start3A_146 = arith.constant 0 : i32
        %dma_start3A_147 = tpu.memref_slice %arg5[%add3A, %multiple_of3A_139, %dma_start3A_146] : memref<4x3686x2048xf32, #tpu.memory_space<hbm>> -> memref<1x16x2048xf32, #tpu.memory_space<hbm>>
        %dma_start3A_148 = tpu.memref_squeeze %dma_start3A_147 : memref<1x16x2048xf32, #tpu.memory_space<hbm>> -> memref<16x2048xf32, #tpu.memory_space<hbm>>
        %dma_start3A_149 = arith.constant 0 : i32
        %dma_start3A_150 = tpu.memref_slice %arg5[%add3A, %multiple_of3A_139, %dma_start3A_149] : memref<4x3686x2048xf32, #tpu.memory_space<hbm>> -> memref<1x16x2048xf32, #tpu.memory_space<hbm>>
        %dma_start3A_151 = tpu.memref_squeeze %dma_start3A_150 : memref<1x16x2048xf32, #tpu.memory_space<hbm>> -> memref<16x2048xf32, #tpu.memory_space<hbm>>
        tpu.enqueue_dma source(%arg11 : memref<16x2048xf32, #tpu.memory_space<vmem>>) target(%dma_start3A_151 : memref<16x2048xf32, #tpu.memory_space<hbm>>) target_semaphore(%run_scoped3A : memref<!tpu.dma_semaphore, #tpu.memory_space<semaphore_mem>>)
        %dma_wait3A_152 = arith.constant 0 : i32
        %dma_wait3A_153 = tpu.memref_slice %arg5[%add3A, %multiple_of3A_139, %dma_wait3A_152] : memref<4x3686x2048xf32, #tpu.memory_space<hbm>> -> memref<1x16x2048xf32, #tpu.memory_space<hbm>>
        %dma_wait3A_154 = tpu.memref_squeeze %dma_wait3A_153 : memref<1x16x2048xf32, #tpu.memory_space<hbm>> -> memref<16x2048xf32, #tpu.memory_space<hbm>>
        %dma_wait3A_155 = arith.constant 0 : i32
        %dma_wait3A_156 = tpu.memref_slice %arg5[%add3A, %multiple_of3A_139, %dma_wait3A_155] : memref<4x3686x2048xf32, #tpu.memory_space<hbm>> -> memref<1x16x2048xf32, #tpu.memory_space<hbm>>
        %dma_wait3A_157 = tpu.memref_squeeze %dma_wait3A_156 : memref<1x16x2048xf32, #tpu.memory_space<hbm>> -> memref<16x2048xf32, #tpu.memory_space<hbm>>
        tpu.wait_dma2 semaphore(%run_scoped3A : memref<!tpu.dma_semaphore, #tpu.memory_space<semaphore_mem>>) src(%arg11 : memref<16x2048xf32, #tpu.memory_space<vmem>>) dst(%dma_wait3A_157 : memref<16x2048xf32, #tpu.memory_space<hbm>>)
        tpu.yield
      }) : () -> ()
      %add3A_140 = arith.constant 3 : i32
      %add3A_141 = arith.addi %mul3A_106, %add3A_140 : i32
      %lt3A_142 = arith.cmpi slt, %add3A_141, %select_n3A_45 : i32
      %convert_element_type3A_143 = arith.extui %lt3A_142 : i1 to i32
      %cond3A_144 = arith.constant 0 : i32
      %cond3A_145 = arith.cmpi ne, %convert_element_type3A_143, %cond3A_144 : i32
      scf.if %cond3A_145 {
        %add3A_146 = arith.constant 3 : i32
        %add3A_147 = arith.addi %mul3A_106, %add3A_146 : i32
        %mul3A_148 = arith.constant 16 : i32
        %mul3A_149 = arith.muli %add3A_147, %mul3A_148 : i32
        %multiple_of3A_150 = tpu.assume_multiple %mul3A_149, 16 : i32
        %get3A_151 = arith.index_cast %multiple_of3A_150 : i32 to index
        %get3A_152 = tpu.vector_load %arg9[%get3A_151] {strides = array<i32>} : memref<512xi32, #tpu.memory_space<vmem>>, vector<16xi32>,
        %dma_start3A_153 = arith.constant 0 : i32
        %dma_start3A_154 = arith.constant 0 : i32
        %dma_start3A_155 = tpu.memref_slice %arg2[%add3A, %dma_start3A_153, %dma_start3A_154] : memref<4x4096x2048xf32, #tpu.memory_space<hbm>> -> memref<1x4096x2048xf32, #tpu.memory_space<hbm>>
        %dma_start3A_156 = tpu.memref_squeeze %dma_start3A_155 : memref<1x4096x2048xf32, #tpu.memory_space<hbm>> -> memref<4096x2048xf32, #tpu.memory_space<hbm>>
        %dma_start3A_157 = arith.constant 0 : i32
        %dma_start3A_158 = arith.constant 0 : i32
        %dma_start3A_159 = tpu.memref_slice %dma_start3A_156[%dma_start3A_157, %dma_start3A_158] : memref<4096x2048xf32, #tpu.memory_space<hbm>> -> memref<4096x2048xf32, #tpu.memory_space<hbm>>
        tpu.enqueue_indirect_dma source(%dma_start3A_159 : memref<4096x2048xf32, #tpu.memory_space<hbm>>) target(%arg11 : memref<16x2048xf32, #tpu.memory_space<vmem>>) offsets(%get3A_152 : vector<16xi32>) semaphore(%arg14 : memref<!tpu.dma_semaphore, #tpu.memory_space<semaphore_mem>>)
      } else {
      }
    }
    %eq3A_99 = arith.constant 7 : i32
    %eq3A_100 = arith.cmpi eq, %select_n3A_30, %eq3A_99 : i32
    %convert_element_type3A_101 = arith.extui %eq3A_100 : i1 to i32
    %cond3A_102 = arith.constant 0 : i32
    %cond3A_103 = arith.cmpi ne, %convert_element_type3A_101, %cond3A_102 : i32
    scf.if %cond3A_103 {
      %iota3A = tpu.iota {dimensions = array<i32: 0>} : vector<16xi32>
      %add3A_104 = arith.constant 96 : i32
      %add3A_105 = vector.broadcast %add3A_104 : i32 to vector<16xi32>
      %add3A_106 = arith.addi %add3A_105, %iota3A : vector<16xi32>
      %min3A = arith.constant 101 : i32
      %min3A_107 = vector.broadcast %min3A : i32 to vector<16xi32>
      %min3A_108 = arith.minsi %add3A_106, %min3A_107 : vector<16xi32>
      %gather3A = tpu.vector_load_idx %arg9[%min3A_108] : memref<512xi32, #tpu.memory_space<vmem>>[vector<16xi32>], vector<16xi32>,
      %dma_start3A_109 = arith.constant 0 : i32
      %dma_start3A_110 = arith.constant 0 : i32
      %dma_start3A_111 = tpu.memref_slice %arg2[%add3A, %dma_start3A_109, %dma_start3A_110] : memref<4x4096x2048xf32, #tpu.memory_space<hbm>> -> memref<1x4096x2048xf32, #tpu.memory_space<hbm>>
      %dma_start3A_112 = tpu.memref_squeeze %dma_start3A_111 : memref<1x4096x2048xf32, #tpu.memory_space<hbm>> -> memref<4096x2048xf32, #tpu.memory_space<hbm>>
      %dma_start3A_113 = arith.constant 0 : i32
      %dma_start3A_114 = arith.constant 0 : i32
      %dma_start3A_115 = tpu.memref_slice %dma_start3A_112[%dma_start3A_113, %dma_start3A_114] : memref<4096x2048xf32, #tpu.memory_space<hbm>> -> memref<4096x2048xf32, #tpu.memory_space<hbm>>
      tpu.enqueue_indirect_dma source(%dma_start3A_115 : memref<4096x2048xf32, #tpu.memory_space<hbm>>) target(%arg10 : memref<16x2048xf32, #tpu.memory_space<vmem>>) offsets(%gather3A : vector<16xi32>) semaphore(%arg13 : memref<!tpu.dma_semaphore, #tpu.memory_space<semaphore_mem>>)
      %dma_wait3A = arith.constant 0 : i32
      %dma_wait3A_116 = arith.constant 0 : i32
      %dma_wait3A_117 = tpu.memref_slice %arg2[%add3A, %dma_wait3A, %dma_wait3A_116] : memref<4x4096x2048xf32, #tpu.memory_space<hbm>> -> memref<1x4096x2048xf32, #tpu.memory_space<hbm>>
      %dma_wait3A_118 = tpu.memref_squeeze %dma_wait3A_117 : memref<1x4096x2048xf32, #tpu.memory_space<hbm>> -> memref<4096x2048xf32, #tpu.memory_space<hbm>>
      %dma_wait3A_119 = arith.constant 0 : i32
      %dma_wait3A_120 = arith.constant 0 : i32
      %dma_wait3A_121 = tpu.memref_slice %dma_wait3A_118[%dma_wait3A_119, %dma_wait3A_120] : memref<4096x2048xf32, #tpu.memory_space<hbm>> -> memref<4096x2048xf32, #tpu.memory_space<hbm>>
      tpu.wait_indirect_dma semaphore(%arg13 : memref<!tpu.dma_semaphore, #tpu.memory_space<semaphore_mem>>) src(%dma_wait3A_121 : memref<4096x2048xf32, #tpu.memory_space<hbm>>) dst(%arg10 : memref<16x2048xf32, #tpu.memory_space<vmem>>)
      %add3A_122 = arith.constant 96 : i32
      %add3A_123 = arith.addi %mul3A_40, %add3A_122 : i32
      %add3A_124 = vector.broadcast %add3A_123 : i32 to vector<16xi32>
      %add3A_125 = arith.addi %add3A_124, %iota3A : vector<16xi32>
      %min3A_126 = arith.constant 3685 : i32
      %min3A_127 = vector.broadcast %min3A_126 : i32 to vector<16xi32>
      %min3A_128 = arith.minsi %add3A_125, %min3A_127 : vector<16xi32>
      %dma_start3A_129 = arith.constant 0 : i32
      %dma_start3A_130 = arith.constant 0 : i32
      %dma_start3A_131 = tpu.memref_slice %arg5[%add3A, %dma_start3A_129, %dma_start3A_130] : memref<4x3686x2048xf32, #tpu.memory_space<hbm>> -> memref<1x3686x2048xf32, #tpu.memory_space<hbm>>
      %dma_start3A_132 = tpu.memref_squeeze %dma_start3A_131 : memref<1x3686x2048xf32, #tpu.memory_space<hbm>> -> memref<3686x2048xf32, #tpu.memory_space<hbm>>
      %dma_start3A_133 = arith.constant 0 : i32
      %dma_start3A_134 = arith.constant 0 : i32
      %dma_start3A_135 = tpu.memref_slice %dma_start3A_132[%dma_start3A_133, %dma_start3A_134] : memref<3686x2048xf32, #tpu.memory_space<hbm>> -> memref<3686x2048xf32, #tpu.memory_space<hbm>>
      tpu.enqueue_indirect_dma source(%arg10 : memref<16x2048xf32, #tpu.memory_space<vmem>>) target(%dma_start3A_135 : memref<3686x2048xf32, #tpu.memory_space<hbm>>) offsets(%min3A_128 : vector<16xi32>) semaphore(%arg13 : memref<!tpu.dma_semaphore, #tpu.memory_space<semaphore_mem>>)
      %dma_wait3A_136 = arith.constant 0 : i32
      %dma_wait3A_137 = arith.constant 0 : i32
      %dma_wait3A_138 = tpu.memref_slice %arg5[%add3A, %dma_wait3A_136, %dma_wait3A_137] : memref<4x3686x2048xf32, #tpu.memory_space<hbm>> -> memref<1x3686x2048xf32, #tpu.memory_space<hbm>>
      %dma_wait3A_139 = tpu.memref_squeeze %dma_wait3A_138 : memref<1x3686x2048xf32, #tpu.memory_space<hbm>> -> memref<3686x2048xf32, #tpu.memory_space<hbm>>
      %dma_wait3A_140 = arith.constant 0 : i32
      %dma_wait3A_141 = arith.constant 0 : i32
      %dma_wait3A_142 = tpu.memref_slice %dma_wait3A_139[%dma_wait3A_140, %dma_wait3A_141] : memref<3686x2048xf32, #tpu.memory_space<hbm>> -> memref<3686x2048xf32, #tpu.memory_space<hbm>>
      tpu.wait_indirect_dma semaphore(%arg13 : memref<!tpu.dma_semaphore, #tpu.memory_space<semaphore_mem>>) src(%arg10 : memref<16x2048xf32, #tpu.memory_space<vmem>>) dst(%dma_wait3A_142 : memref<3686x2048xf32, #tpu.memory_space<hbm>>)
    } else {
    }
    return
  }
}

module attributes {stable_mosaic.version = 14 : i64} {
  func.func @body(%arg0: memref<4x1x4096xf32, #tpu.memory_space<vmem>>, %arg1: memref<4x1x16xf32, #tpu.memory_space<vmem>>) attributes {dimension_semantics = [], scalar_prefetch = 0 : i64, scratch_operands = 0 : i64, tpu.core_type = #tpu.core_type<tc>} {
    %get3A = arith.constant 0 : index
    %get3A_0 = arith.constant 0 : index
    %get3A_1 = arith.constant 0 : index
    %get3A_2 = vector.load %arg0[%get3A, %get3A_0, %get3A_1] : memref<4x1x4096xf32, #tpu.memory_space<vmem>>, vector<4x1x4096xf32>
    %get3A_3 = vector.shape_cast %get3A_2 : vector<4x1x4096xf32> to vector<4x4096xf32>
    %bitcast_convert_type3A = tpu.bitcast %get3A_3 : vector<4x4096xf32> -> vector<4x4096xi32>
    %broadcast_in_dim3A = arith.constant 0 : i32
    %broadcast_in_dim3A_4 = vector.broadcast %broadcast_in_dim3A : i32 to vector<4x1xi32>
    %scan3A = arith.constant 0 : i32
    %scan3A_5 = arith.constant 31 : i32
    %scan3A_6 = arith.addi %scan3A, %scan3A_5 : i32
    %scan3A_7 = arith.constant 1 : i32
    %scan3A_8 = scf.for %scan3A_33 = %scan3A to %scan3A_6 step %scan3A_7 iter_args(%scan3A_34 = %broadcast_in_dim3A_4) -> (vector<4x1xi32>)  : i32 {
      %sub3A_35 = arith.constant 30 : i32
      %sub3A_36 = arith.subi %sub3A_35, %scan3A_33 : i32
      %shift_left3A = arith.constant 1 : i32
      %shift_left3A_37 = arith.shli %shift_left3A, %sub3A_36 : i32
      %or3A = vector.broadcast %shift_left3A_37 : i32 to vector<4x1xi32>
      %or3A_38 = arith.ori %scan3A_34, %or3A : vector<4x1xi32>
      %ge3A = vector.broadcast %or3A_38 : vector<4x1xi32> to vector<4x4096xi32>
      %ge3A_39 = arith.cmpi sge, %bitcast_convert_type3A, %ge3A : vector<4x4096xi32>
      %convert_element_type3A_40 = arith.extui %ge3A_39 : vector<4x4096xi1> to vector<4x4096xi32>
      %reduce_sum3A_41 = arith.constant dense<0> : vector<4xi32>
      %reduce_sum3A_42 = vector.multi_reduction <add>, %convert_element_type3A_40, %reduce_sum3A_41 [1] : vector<4x4096xi32> to vector<4xi32>
      %broadcast_in_dim3A_43 = vector.shape_cast %reduce_sum3A_42 : vector<4xi32> to vector<4x1xi32>
      %ge3A_44 = arith.constant 3686 : i32
      %ge3A_45 = vector.broadcast %ge3A_44 : i32 to vector<4x1xi32>
      %ge3A_46 = arith.cmpi sge, %broadcast_in_dim3A_43, %ge3A_45 : vector<4x1xi32>
      %select_n3A_47 = arith.select %ge3A_46, %or3A_38, %scan3A_34 : vector<4x1xi1>, vector<4x1xi32>
      scf.yield %select_n3A_47 : vector<4x1xi32>
    }
    %scan3A_9 = arith.constant 31 : i32
    %gt3A = vector.broadcast %scan3A_8 : vector<4x1xi32> to vector<4x4096xi32>
    %gt3A_10 = arith.cmpi sgt, %bitcast_convert_type3A, %gt3A : vector<4x4096xi32>
    %convert_element_type3A = arith.extui %gt3A_10 : vector<4x4096xi1> to vector<4x4096xi32>
    %reduce_sum3A = arith.constant dense<0> : vector<4xi32>
    %reduce_sum3A_11 = vector.multi_reduction <add>, %convert_element_type3A, %reduce_sum3A [1] : vector<4x4096xi32> to vector<4xi32>
    %broadcast_in_dim3A_12 = vector.shape_cast %reduce_sum3A_11 : vector<4xi32> to vector<4x1xi32>
    %sub3A = arith.constant 3686 : i32
    %sub3A_13 = vector.broadcast %sub3A : i32 to vector<4x1xi32>
    %sub3A_14 = arith.subi %sub3A_13, %broadcast_in_dim3A_12 : vector<4x1xi32>
    %convert_element_type3A_15 = arith.sitofp %sub3A_14 : vector<4x1xi32> to vector<4x1xf32>
    %bitcast_convert_type3A_16 = tpu.bitcast %scan3A_8 : vector<4x1xi32> -> vector<4x1xf32>
    %iota3A = tpu.iota {dimensions = array<i32: 1>} : vector<4x16xi32>
    %eq3A = arith.constant 0 : i32
    %eq3A_17 = vector.broadcast %eq3A : i32 to vector<4x16xi32>
    %eq3A_18 = arith.cmpi eq, %iota3A, %eq3A_17 : vector<4x16xi32>
    %eq3A_19 = arith.constant 1 : i32
    %eq3A_20 = vector.broadcast %eq3A_19 : i32 to vector<4x16xi32>
    %eq3A_21 = arith.cmpi eq, %iota3A, %eq3A_20 : vector<4x16xi32>
    %jit3A = arith.constant 0.000000e+00 : f32
    %broadcast_in_dim3A_22 = vector.shape_cast %convert_element_type3A_15 : vector<4x1xf32> to vector<4x1xf32>
    %broadcast_in_dim3A_23 = vector.broadcast %broadcast_in_dim3A_22 : vector<4x1xf32> to vector<4x16xf32>
    %broadcast_in_dim3A_24 = vector.broadcast %jit3A : f32 to vector<4x16xf32>
    %select_n3A = arith.select %eq3A_21, %broadcast_in_dim3A_23, %broadcast_in_dim3A_24 : vector<4x16xi1>, vector<4x16xf32>
    %broadcast_in_dim3A_25 = vector.shape_cast %bitcast_convert_type3A_16 : vector<4x1xf32> to vector<4x1xf32>
    %broadcast_in_dim3A_26 = vector.broadcast %broadcast_in_dim3A_25 : vector<4x1xf32> to vector<4x16xf32>
    %select_n3A_27 = arith.select %eq3A_18, %broadcast_in_dim3A_26, %select_n3A : vector<4x16xi1>, vector<4x16xf32>
    %swap3A = arith.constant 0 : index
    %swap3A_28 = arith.constant 0 : index
    %swap3A_29 = arith.constant 0 : index
    %swap3A_30 = vector.load %arg1[%swap3A, %swap3A_28, %swap3A_29] : memref<4x1x16xf32, #tpu.memory_space<vmem>>, vector<4x1x16xf32>
    %swap3A_31 = vector.shape_cast %swap3A_30 : vector<4x1x16xf32> to vector<4x16xf32>
    %swap3A_32 = vector.shape_cast %select_n3A_27 : vector<4x16xf32> to vector<4x1x16xf32>
    tpu.vector_store %arg1[%swap3A, %swap3A_28, %swap3A_29], %swap3A_32 {strides = array<i32>} : memref<4x1x16xf32, #tpu.memory_space<vmem>>, vector<4x1x16xf32>,
    return
  }
}

module attributes {stable_mosaic.version = 14 : i64} {
  func.func @body(%arg0: i32, %arg1: i32, %arg2: memref<1x512x2048xf32, #tpu.memory_space<vmem>>, %arg3: memref<1x1x4096xf32, #tpu.memory_space<vmem>>) attributes {dimension_semantics = [#tpu.dimension_semantics<arbitrary>, #tpu.dimension_semantics<arbitrary>], iteration_bounds = array<i64: 4, 8>, scalar_prefetch = 0 : i64, scratch_operands = 0 : i64, tpu.core_type = #tpu.core_type<tc>, window_params = [{transform_indices = @transform_0, window_bounds = array<i64: 1, 512, 2048>}, {transform_indices = @transform_1, window_bounds = array<i64: 1, 1, 4096>}]} {
    %get3A = arith.constant 0 : index
    %get3A_0 = arith.constant 0 : index
    %get3A_1 = arith.constant 0 : index
    %get3A_2 = vector.load %arg2[%get3A, %get3A_0, %get3A_1] : memref<1x512x2048xf32, #tpu.memory_space<vmem>>, vector<1x512x2048xf32>
    %get3A_3 = vector.shape_cast %get3A_2 : vector<1x512x2048xf32> to vector<512x2048xf32>
    %mul3A = arith.mulf %get3A_3, %get3A_3 : vector<512x2048xf32>
    %reduce_sum3A = arith.constant dense<0.000000e+00> : vector<512xf32>
    %reduce_sum3A_4 = vector.multi_reduction <add>, %mul3A, %reduce_sum3A [1] : vector<512x2048xf32> to vector<512xf32>
    %sqrt3A = math.sqrt %reduce_sum3A_4 : vector<512xf32>
    %mul3A_5 = arith.constant 512 : i32
    %mul3A_6 = arith.muli %arg1, %mul3A_5 : i32
    %swap3A = arith.constant 0 : index
    %swap3A_7 = arith.constant 0 : index
    %swap3A_8 = arith.index_cast %mul3A_6 : i32 to index
    %swap3A_9 = vector.load %arg3[%swap3A, %swap3A_7, %swap3A_8] : memref<1x1x4096xf32, #tpu.memory_space<vmem>>, vector<1x1x512xf32>
    %swap3A_10 = vector.shape_cast %swap3A_9 : vector<1x1x512xf32> to vector<512xf32>
    %swap3A_11 = vector.shape_cast %sqrt3A : vector<512xf32> to vector<1x1x512xf32>
    tpu.vector_store %arg3[%swap3A, %swap3A_7, %swap3A_8], %swap3A_11 {strides = array<i32>} : memref<1x1x4096xf32, #tpu.memory_space<vmem>>, vector<1x1x512xf32>,
    return
  }
  func.func @transform_0(%arg0: i32, %arg1: i32) -> (i32, i32, i32) {
    %c0_i32 = arith.constant 0 : i32
    %c0_i32_0 = arith.constant 0 : i32
    return %arg0, %arg1, %c0_i32 : i32, i32, i32
  }
  func.func @transform_1(%arg0: i32, %arg1: i32) -> (i32, i32, i32) {
    %c0_i32 = arith.constant 0 : i32
    %c0_i32_0 = arith.constant 0 : i32
    %c0_i32_1 = arith.constant 0 : i32
    return %arg0, %c0_i32, %c0_i32_0 : i32, i32, i32
  }
}

</mosaic_0001>

<sc_bundles>
// kernel: kernel.5.cloned.1.call-start
scs
__scs_entry_jumppad:
0x0: {  	(pc) =	sbr.rel $0x88, $3  }
0x1: {  	(tag) =	ssettag $0x0;
	lr =	simm.s32 $0x1  }
0x2: {  	[smem:$0x3FA0] =	sst lr;
	_ =	strace $0xD0000000  }
0x3: {  	_ = 	snop  }
0x4: {  	_ = 	snop  }
0x5: {  	_ = 	snop  }
0x6: {  	_ = 	snop  }
0x7: {  	_ = 	snop  }
__scs_overlays_trampoline_lowered:
0x8: {  	[smem:$0x3FAF] =	sst s0  }
0x9: {  	[smem:$0x3FB0] =	sst s1  }
0xa: {  	[smem:$0x3FB1] =	sst s2  }
0xb: {  	[smem:$0x3FB2] =	sst s3  }
0xc: {  	[smem:$0x3FB3] =	sst s4  }
0xd: {  	[smem:$0x3FB4] =	sst s5  }
0xe: {  	[smem:$0x3FB5] =	sst s6  }
0xf: {  	[smem:$0x3FB6] =	sst s7  }
0x10: {  	[smem:$0x3FB7] =	sst s8  }
0x11: {  	[smem:$0x3FB8] =	sst s9;
	s0 =	simm.s32 @!p0 $0x0  }
0x12: {  	s1 =	sld [smem:$0x3F9E];
	s0 =	simm.s32 @p0 $0x1  }
0x13: {  	[smem:$0x3FB9] =	sst s0;
	s0 =	simm.s32 @!p1 $0x0  }
0x14: {  	s2 =	sld [smem:$0x3F9D];
	s0 =	simm.s32 @p1 $0x1  }
0x15: {  	[smem:$0x3FBA] =	sst s0;
	s0 =	simm.s32 @!p2 $0x0  }
0x16: {  	s3 =	sld [smem:$0x3FDB];
	s0 =	simm.s32 @p2 $0x1  }
0x17: {  	s4 =	simm.s32 $0x1BF5;
	[smem:$0x3FBC] =	sst s0  }
0x18: {  	s0 =	sld [smem:$0x3F9F];
	_ =	swait.ge [sflag:s4], $0x0  }
0x19: {  	s7 =	sld [smem:$0x3FA0]  }
0x1a: {  	s8 =	sadd.s32 $0xFFFFE003, lr  }
0x1b: {  	s9 =	sadd.s32 $0xFFFFFEF7, lr;
	s5 =	simm.s32 $0xFFFFFFFF;
	p2 =	slt.u32 s8, $0xFFFFF086  }
0x1c: {  	p1 =	slt.u32 s9, $0xF7A;
	s5 =	simm.s32 @!p2 $0x0  }
0x1d: {  	s5 =	simm.s32 @p1 $0x1;
	p0 =	seq.s32 s7, s2  }
0x1e: {  	s7 =	smul.u32 @!p0 $0xF7A, s2;
	p2 =	seq.s32 @!p0 s5, $0x0  }
0x1f: {  	s9 =	smul.u32 $0xF7A, s1;
	s8 =	simm.s32 @!p0 $0x1BF5;
	p2 =	por !p2, p0  }
0x20: {  	[sflag:s8] =	ssyncset.s32 @!p0 $0xFFFFF086;
	s6 =	sadd.s32 @!p0 s3, s7;
	s7 =	simm.s32 @!p0 $0x108  }
0x21: {  	s3 =	sadd.s32 s3, s9;
	s6 =	sadd.s32 @!p0 $0x88, s6;
	s7 =	simm.s32 @p2 $0x1082  }
0x22: {  	[simem:s7], [sflag:s8] =	dma.local @!p0 [hbm:s6], $0xF7A  }
0x23: {  	s9 =	sor.u32 $0xD0000000, s2;
	s6 =	simm.s32 $0x108;
	_ =	swait.ge @!p0 [sflag:s8], $0x0  }
0x24: {  	s3 =	sadd.s32 $0x88, s3;
	s6 =	simm.s32 @!p1 $0x1082;
	[sflag:s4] =	ssyncset.s32 $0xFFFFF086  }
0x25: {  	[simem:s6], [sflag:s4] =	dma.local [hbm:s3], $0xF7A  }
0x26: {  	[smem:$0x3FA0] =	sst s1;
	(tag) =	ssettag s2;
	_ =	strace s9  }
0x27: {  	s1 =	sld [smem:$0x3FB0]  }
0x28: {  	s2 =	sld [smem:$0x3FB1]  }
0x29: {  	s4 =	sld [smem:$0x3FB3]  }
0x2a: {  	p0 =	seq.s32 s5, $0x0;
	s5 =	sld [smem:$0x3FB4]  }
0x2b: {  	s6 =	sld [smem:$0x3FB5]  }
0x2c: {  	s7 =	sld [smem:$0x3FB6]  }
0x2d: {  	s3 =	simm.s32 $0x108;
	s8 =	sld [smem:$0x3FB7]  }
0x2e: {  	s3 =	simm.s32 @!p0 $0x1082;
	s9 =	sld [smem:$0x3FB8]  }
0x2f: {  	lr =	sadd.s32 s0, s3;
	s0 =	sld [smem:$0x3FAF]  }
0x30: {  	s3 =	sld [smem:$0x3FB2]  }
0x31: {  	[smem:$0x3FBB] =	sst s10  }
0x32: {  	s10 =	sld [smem:$0x3FB9];
	_ =	sdelay $0x3  }
0x33: {  	p0 =	seq.s32 s10, $0x1;
	s10 =	sld [smem:$0x3FBB];
	_ =	sdelay $0x3  }
0x34: {  	[smem:$0x3FBB] =	sst s10  }
0x35: {  	s10 =	sld [smem:$0x3FBA];
	_ =	sdelay $0x3  }
0x36: {  	p1 =	seq.s32 s10, $0x1;
	s10 =	sld [smem:$0x3FBB];
	_ =	sdelay $0x3  }
0x37: {  	[smem:$0x3FBB] =	sst s10  }
0x38: {  	s10 =	sld [smem:$0x3FBC]  }
0x39: {  	_ = 	snop;
	(pc) =	sbr.ind lr, $3  }
0x3a: {  	_ = 	snop  }
0x3b: {  	_ = 	snop  }
0x3c: {  	p2 =	seq.s32 s10, $0x1;
	s10 =	sld [smem:$0x3FBB]  }
0x3d: {  	_ =	shalt  }
0x3e: {  	_ =	shalt  }
0x3f: {  	_ =	shalt  }
0x40: {  	_ =	shalt  }
0x41: {  	_ =	shalt  }
0x42: {  	_ =	shalt  }
0x43: {  	_ =	shalt  }
0x44: {  	_ =	shalt  }
0x45: {  	_ =	shalt  }
0x46: {  	_ =	shalt  }
0x47: {  	_ =	shalt  }
0x48: {  	_ =	shalt  }
0x49: {  	_ =	shalt  }
0x4a: {  	_ =	shalt  }
0x4b: {  	_ =	shalt  }
0x4c: {  	_ =	shalt  }
0x4d: {  	_ =	shalt  }
0x4e: {  	_ =	shalt  }
0x4f: {  	_ =	shalt  }
0x50: {  	_ =	shalt  }
0x51: {  	_ =	shalt  }
0x52: {  	_ =	shalt  }
0x53: {  	_ =	shalt  }
0x54: {  	_ =	shalt  }
0x55: {  	_ =	shalt  }
0x56: {  	_ =	shalt  }
0x57: {  	_ =	shalt  }
0x58: {  	_ =	shalt  }
0x59: {  	_ =	shalt  }
0x5a: {  	_ =	shalt  }
0x5b: {  	_ =	shalt  }
0x5c: {  	_ =	shalt  }
0x5d: {  	_ =	shalt  }
0x5e: {  	_ =	shalt  }
0x5f: {  	_ =	shalt  }
0x60: {  	_ =	shalt  }
0x61: {  	_ =	shalt  }
0x62: {  	_ =	shalt  }
0x63: {  	_ =	shalt  }
0x64: {  	_ =	shalt  }
0x65: {  	_ =	shalt  }
0x66: {  	_ =	shalt  }
0x67: {  	_ =	shalt  }
0x68: {  	_ =	shalt  }
0x69: {  	_ =	shalt  }
0x6a: {  	_ =	shalt  }
0x6b: {  	_ =	shalt  }
0x6c: {  	_ =	shalt  }
0x6d: {  	_ =	shalt  }
0x6e: {  	_ =	shalt  }
0x6f: {  	_ =	shalt  }
0x70: {  	_ =	shalt  }
0x71: {  	_ =	shalt  }
0x72: {  	_ =	shalt  }
0x73: {  	_ =	shalt  }
0x74: {  	_ =	shalt  }
0x75: {  	_ =	shalt  }
0x76: {  	_ =	shalt  }
0x77: {  	_ =	shalt  }
0x78: {  	_ =	shalt  }
0x79: {  	_ =	shalt  }
0x7a: {  	_ =	shalt  }
0x7b: {  	_ =	shalt  }
0x7c: {  	_ =	shalt  }
0x7d: {  	_ =	shalt  }
0x7e: {  	_ =	shalt  }
0x7f: {  	_ =	shalt  }
0x80: {  	_ =	shalt  }
0x81: {  	_ =	shalt  }
0x82: {  	_ =	shalt  }
0x83: {  	_ =	shalt  }
0x84: {  	_ =	shalt  }
0x85: {  	_ =	shalt  }
0x86: {  	_ =	shalt  }
0x87: {  	_ =	shalt  }
.Lfunc_end0:
.L_simem_size_0:
called_computation.1_lowered:
.L_overlay_start_0:
0x88: {  	s2 =	sld [smem:$0x3FD9]  }
0x89: {  	s3 =	sld [smem:$0x3FFE];
	_ =	sdelay $0x1  }
0x8a: {  	s1 =	srdreg.scid  }
0x8b: {  	s0 =	sand.u32 $0x1, s1  }
0x8c: {  	s17 =	sshll.u32 s0, $0xA;
	s2 =	sadd.s32 s3, s2  }
0x8d: {  	s2 =	sadd.s32 s2, s17  }
0x8e: {  	[smem:$0x3FC7] =	sst s2  }
0x8f: {  	_ = 	snop  }
0x90: {  	s2 =	sld [smem:$0x3FD0];
	(tm) =	ssettm $0x1  }
0x91: {  	s18 =	sld [smem:$0x3FFB];
	_ =	sdelay $0x3  }
0x92: {  	_ =	strace s18  }
0x93: {  	s3 =	sld [smem:$0x3FFC];
	_ =	sdelay $0x3  }
0x94: {  	_ =	strace s3  }
0x95: {  	s3 =	sld [smem:$0x3FFD];
	_ =	sdelay $0x3  }
0x96: {  	_ =	strace s3  }
0x97: {  	_ =	strace $0x8FFFFFFF  }
0x98: {  	s19 =	sld [smem:$0x3FDB];
	_ =	sdelay $0x1  }
0x99: {  	s4 =	simm.s32 $_scs_section_size  }
0x9a: {  	s5 =	simm.s32 $_size__tile_overlayer_lowered;
	s6 =	simm.s32 $_tile_overlayer_lowered  }
0x9b: {  	s22 =	simm.s32 $0x1BFF;
	s21 =	sshll.u32 s6, $0x1;
	s3 =	sadd.s32 s4, s19  }
0x9c: {  	s7 =	simm.s32 $0x0;
	s20 =	sshll.u32 s5, $0x1;
	s5 =	sadd.s32 s21, s3  }
0x9d: {  	[timem:s7], [sflag:s22] =	dma.local [hbm:s5], s20  }
0x9e: {  	_ =	swait.ge [sflag:s22], s20  }
0x9f: {  	s4 =	ssub.s32 $0x0, s20;
	[sflag:s22] =	ssyncset.done $0x0  }
0xa0: {  	[sflag:s22] =	ssyncadd.s32 s4;
	_ =	sdelay $0x1  }
0xa1: {  	s23 =	simm.s32 $0x1B8B  }
0xa2: {  	_ =	swait.ge [sflag:s23], $0x1  }
0xa3: {  	[sflag:s23] =	ssyncset.done $0x0  }
0xa4: {  	s25 =	simm.s32 $0x1B8E;
	s24 =	sld [smem:$0x3FFE];
	[sflag:s23] =	ssyncadd.s32 $0xFFFFFFFF  }
0xa5: {  	s26 =	simm.s32 $execute0_lowered;
	[smem:$0x3FD2] =	sst s25  }
0xa6: {  	s5 =	sshll.u32 s26, $0x1;
	_ =	strace $0x80000049;
	[dreg:$0x1] =	wrdreg $0xFFFFFFFF  }
0xa7: {  	s28 =	simm.s32 $_size_execute0_lowered;
	s3 =	sadd.s32 s3, s5;
	[dreg:$0x0] =	wrdreg $0x0  }
0xa8: {  	s5 =	sshll.u32 s28, $0x1;
	[dreg:$0x2] =	wrdreg s3  }
0xa9: {  	[dreg:$0x3] =	wrdreg s5  }
0xaa: {  	[dreg:$0x4] =	wrdreg $0xC0  }
0xab: {  	_ =	task [dreg:s7], $0x5FFFF  }
0xac: {  	[dreg:$0x1] =	wrdreg $0xFFFFFFFF  }
0xad: {  	[dreg:$0x0] =	wrdreg $0x60  }
0xae: {  	[dreg:$0x2] =	wrdreg s24  }
0xaf: {  	[dreg:$0x3] =	wrdreg s2  }
0xb0: {  	[dreg:$0x4] =	wrdreg $0x122100  }
0xb1: {  	[dreg:$0x5] =	wrdreg $0x9  }
0xb2: {  	_ =	task.clear_ibuf [dreg:s7], $0x6FFFF;
	_ =	strace $0x90000049  }
0xb3: {  	s29 =	simm.s32 $0x9;
	_ =	strace $0x8000004B  }
0xb4: {  	_ =	swait.ge [sflag:s29], $0x1  }
0xb5: {  	[sflag:s29] =	ssyncadd.s32 $0xFFFFFFFF  }
0xb6: {  	_ =	strace $0x9000004B  }
0xb7: {  	_ =	sfence  }
0xb8: {  	s30 =	sld [smem:$0x0];
	_ =	sdelay $0x2  }
0xb9: {  	s31 =	sshll.u32 s1, $0xD;
	s1 =	sshrl.u32 s1, $0x2  }
0xba: {  	s3 =	sand.u32 $0x4000, s31;
	s1 =	sadd.s32 s1, s30  }
0xbb: {  	s0 =	sor.u32 s3, s0;
	s1 =	sshll.u32 s1, $0x11  }
0xbc: {  	s0 =	sor.u32 s1, s0  }
0xbd: {  	s0 =	sadd.s32 $0x8F2B, s0  }
0xbe: {  	[sflag:s0] =	ssyncadd.remote.s32 $0x1  }
0xbf: {  	_ =	sfence.sel $0xFFFF  }
0xc0: {  	[dreg:$0x0] =	wrdreg $0xFFFFFFFF;
	(pc) =	sbr.abs _section_cstart, $3  }
0xc1: {  	[dreg:$0x1] =	wrdreg $0xFFFFFFFF  }
0xc2: {  	_ =	task.clear_ibuf [dreg:s7], $0x2FFFF;
	_ =	strace $0x9FFFFFFF  }
0xc3: {  	(tm) =	ssettm $0x7FFFFFFF  }
tec
execute0_lowered:
.L_overlay_start_1:
0x0: {  	(tag) =	ssettag $0x1  }
0x1: {  	s4 =	rddreg [dreg:$0x0]  }
0x2: {  	s1 =	srdreg.scid;
	s2 =	rddreg [dreg:$0x1]  }
0x3: {  	s0 =	stileid.u32;
	s5 =	rddreg [dreg:$0x2];
	s3 =	simm.s32 $0x0  }
0x4: {  	v0 =	vimm.s32 $0x65432100;
	s18 =	simm.s32 $0x2210;
	s19 =	simm.s32 $0xA210;
	s20 =	simm.s32 $0x1  }
0x5: {  	v1 =	vimm.s32 $0xEDCBA987;
	v2 =	vimm.s32 $0xDCBA9876;
	v3 =	vimm.s32 $0x54321000;
	s21 =	simm.s32 $0x2;
	s8 =	sand.u32 $0x1, s1;
	s1 =	rddreg [dreg:$0x3]  }
0x6: {  	v4 =	vimm.s32 $0xBA987654;
	v5 =	vimm.s32 $0xE40000;
	v6 =	vimm.s32 $0x32100000;
	s22 =	simm.s32 $0x0;
	s9 =	sshrl.u32 s0, $0x3;
	[smem:$0x7FF] =	sst s3  }
0x7: {  	vm2 =	vcmask $0x3F30;
	vm0 =	vmmov $0x3;
	vm1 =	vmmov $0xf;
	s14 =	sand.u32 $0x7, s0;
	s6 =	sshll.u32 s8, $0x1;
	_ =	strace $0x8000004A  }
0x8: {  	vm3 =	vmmov $0xffff;
	v0 =	vunpack.c.l.s4.s8 v0;
	v1 =	vunpack.c.l.s4.s8 v1;
	s12 =	ssub.s32 $0x2, s8;
	s13 =	sshll.u32 s9, $0xC;
	s30 =	sshll.u32 s14, $0x9  }
0x9: {  	v2 =	vunpack.c.l.s4.s8 v2;
	v3 =	vunpack.c.l.s4.s8 v3;
	v4 =	vunpack.c.l.s4.s8 v4;
	s31 =	smul.u32 $0xE66000, s8;
	p0 =	seq.s32 s14, $0x7;
	s8 =	simm.s32 $0x6  }
0xa: {  	v5 =	vunpack.c.l.s2.s4 v5;
	v6 =	vunpack.c.l.s4.s8 v6;
	s15 =	smul.u32 $0x733000, s9;
	s16 =	sshll.u32 s14, $0x14;
	p1 =	sne.s32 s14, $0x7;
	v0 =	vunpack.c.0.s8.s32 v0  }
0xb: {  	s10 =	sor.u32 s9, s6;
	v1 =	vunpack.c.0.s8.s32 v1;
	s29 =	sshrl.u32 s12, $0x1;
	v2 =	vunpack.c.0.s8.s32 v2;
	s5 =	sadd.s32 s13, s5;
	v3 =	vunpack.c.0.s8.s32 v3  }
0xc: {  	v4 =	vunpack.c.0.s8.s32 v4;
	v5 =	vunpack.c.l.s4.s8 v5;
	s8 =	simm.s32 @!p0 $0x20;
	p0 =	sne.s32 s14, $0x0;
	s14 =	simm.s32 $0x3;
	vm4 =	vcmask @!p1 $0xF00  }
0xd: {  	vm5 =	vcmask @!p1 $0x1310;
	vm6 =	vmmov @!p1 $0xffff;
	vm7 =	vcmask @!p1 $0x300;
	s6 =	sshll.u32 s10, $0x14;
	s28 =	sshll.u32 s10, $0x9;
	s7 =	sshll.u32 s10, $0x1  }
0xe: {  	vm8 =	vcmask @!p1 $0x704;
	vm9 =	vcmask @!p1 $0xB08;
	s12 =	ssub.s32 s12, s29;
	s17 =	smul.u32 $0xE6600, s10;
	s10 =	sshrl.u32 s8, $0x1;
	v1 =	vand.u32 $0xF, v1  }
0xf: {  	s13 =	sadd.s32 s15, s31;
	s15 =	simm.s32 $0x2000;
	s11 =	sadd.s32 s6, s4;
	v2 =	vand.u32 $0xF, v2;
	v5 =	vunpack.c.0.s8.s32 v5;
	v0 =	vcombine.low v0, v1  }
0x10: {  	s6 =	sadd.s32 s28, s4;
	s7 =	sadd.s32 s7, s4;
	s12 =	smax.u32 s12, $0x1;
	v1 =	vcombine.low v3, v2;
	v3 =	vunpack.c.0.s8.s32 v6;
	v6 =	vimm.s32 $0x7060504  }
0x11: {  	vm10 =	vcmask @!p1 $0xF0C;
	v4 =	vand.u32 $0xF, v4;
	s13 =	sadd.s32 s16, s13;
	s16 =	simm.s32 $0x1000;
	s4 =	sadd.s32 $0x400A00, s6;
	v6 =	vunpack.c.0.s8.s32 v6  }
0x12: {  	s6 =	sadd.s32 $0x401200, s7;
	s7 =	sadd.s32 s30, s5;
	s9 =	sadd.s32 $0xA00, s11;
	v2 =	vimm.s32 $0x0;
	v5 =	vand.u32 $0x3, v5;
	v3 =	vcombine.low v3, v4  }
0x13: {  	s11 =	sadd.s32 s2, s17;
	s13 =	sadd.s32 $0x8000, s13;
	s17 =	simm.s32 $0x2010;
	v4 =	vlaneseq.u32;
	v5 =	vsel vm2, v6, v5;
	vm2 =	vmmov $0xff  }
.LBB2_1:
.Ltmp0:
0x14: {  	(pc) =	sbr.rel @p0 .LBB2_5-.Ltmp0, $1  }
0x15: {  	_ =	sdelay $0x3  }
0x16: {  	s23 =	simm.s32 $0x0  }
0x17: {  	[tilespmem:s23], [sflag:$0x3] =	stream.linear.gather [hbm4b:s4+s23], $0x1000, $0x38;
	[tilespmem:$0x12410] =	vst v63  }
0x18: {  	_ =	swait.ge [sflag:s14], $0x1000  }
0x19: {  	[sflag:s14] =	ssyncset.done $0x0  }
0x1a: {  	[sflag:s14] =	ssyncadd.s32 $0xFFFFF000  }
0x1b: {  	[tilespmem:s15], [sflag:$0x3] =	stream.linear.gather [hbm4b:s6+s23], $0x10, $0x38;
	[tilespmem:$0x12410] =	vst v63  }
0x1c: {  	_ =	swait.ge [sflag:s14], $0x10  }
0x1d: {  	[sflag:s14] =	ssyncset.done $0x0  }
0x1e: {  	[sflag:s14] =	ssyncadd.s32 $0xFFFFFFF0  }
0x1f: {  	v6 =	vld [tilespmem:$0x2000];
	_ =	sdelay $0x4  }
0x20: {  	(v2sf) =	vpush v6, $0x1;
	_ =	sdelay $0xe  }
0x21: {  	s24 =	spop (v2sf)  }
0x22: {  	s24 =	scvt.f32.s32 s24  }
0x23: {  	v10 =	vimm.s32 $0x0;
	v9 =	vimm.s32 $0x0;
	v11 =	vimm.s32 $0x0  }
0x24: {  	s25 =	simm.s32 $0x0;
	v12 =	vld [tilespmem:s23+$0x0];
	v7 =	vbroadcast v6, $0x0;
	v6 =	vimm.s32 $0x0;
	v8 =	vmov s24;
	s24 =	simm.s32 $0x10  }
.LBB2_3:
0x25: {  	p2 =	sne.s32 s24, $0xFF0;
	_ =	sdelay $0x3  }
0x26: {  	vm12 =	veq.f32 v12, v7  }
0x27: {  	v13 =	vsel vm12, $0x1, v2;
	v14 =	vmpcnt.ones.xlane vm12  }
0x28: {  	v15 =	vperm.xlane v13, v0  }
0x29: {  	vm11 =	veq.s32 v4, $0x0;
	v10 =	vadd.s32 v10, v14  }
0x2a: {  	v14 =	vsel vm11, $0x0, v15  }
0x2b: {  	v13 =	vadd.s32 v13, v14  }
0x2c: {  	v14 =	vperm.xlane v13, v1;
	_ =	sdelay $0x1  }
0x2d: {  	v14 =	vsel vm0, $0x0, v14  }
0x2e: {  	v13 =	vadd.s32 v14, v13  }
0x2f: {  	v14 =	vperm.xlane v13, v3;
	_ =	sdelay $0x1  }
0x30: {  	v14 =	vsel vm1, $0x0, v14  }
0x31: {  	v13 =	vadd.s32 v14, v13  }
0x32: {  	v14 =	vperm.xlane v13, v5  }
0x33: {  	v15 =	vsel vm12, $0xFFFFFFFF, v2  }
0x34: {  	v15 =	vadd.s32 v15, v9;
	v9 =	vmov v10;
	v14 =	vsel vm2, $0x0, v14  }
0x35: {  	v14 =	vadd.s32 v14, v15  }
0x36: {  	v13 =	vadd.s32 v13, v14  }
0x37: {  	vm13 =	vlt.s32 v13, v8  }
0x38: {  	vm14 =	vgt.f32 v12, v7;
	vm12 =	vmand vm12, vm13  }
0x39: {  	vm12 =	vmor vm14, vm12  }
0x3a: {  	v12 =	vsel vm12, $0x1, v2;
	v13 =	vmpcnt.ones.xlane vm12  }
0x3b: {  	v14 =	vperm.xlane v12, v0  }
0x3c: {  	v11 =	vadd.s32 v11, v13  }
0x3d: {  	v13 =	vsel vm11, $0x0, v14  }
0x3e: {  	v12 =	vadd.s32 v12, v13  }
0x3f: {  	v13 =	vperm.xlane v12, v1;
	_ =	sdelay $0x1  }
0x40: {  	v13 =	vsel vm0, $0x0, v13  }
0x41: {  	v12 =	vadd.s32 v13, v12  }
0x42: {  	v13 =	vperm.xlane v12, v3;
	_ =	sdelay $0x1  }
0x43: {  	v13 =	vsel vm1, $0x0, v13  }
0x44: {  	v12 =	vadd.s32 v13, v12  }
0x45: {  	v13 =	vperm.xlane v12, v5;
	_ =	sdelay $0x1  }
0x46: {  	v13 =	vsel vm2, $0x0, v13  }
0x47: {  	v14 =	vsel vm12, $0xFFFFFFFF, v2;
	v13 =	vadd.s32 v6, v13;
	v6 =	vmov v11  }
0x48: {  	v13 =	vadd.s32 v14, v13  }
0x49: {  	v12 =	vadd.s32 v12, v13;
	_ =	sdelay $0x1  }
.Ltmp1:
0x4a: {  	(pc) =	sbr.rel @p2 .LBB2_3-.Ltmp1, $4  }
0x4b: {  	_ = 	snop  }
0x4c: {  	v13 =	vor.u32 s23, v4;
	s23 =	smov.u32 s24  }
0x4d: {  	s25 =	sadd.s32 $0x10, s25;
	[tilespmem:v12+s16+$0x0] =	vst.idx.msk vm12, v13  }
0x4e: {  	s24 =	sadd.s32 $0x10, s24;
	v12 =	vld [tilespmem:s25+$0x0]  }
0x4f: {  	_ =	sdelay $0x3  }
0x50: {  	vm12 =	veq.f32 v12, v7  }
0x51: {  	v10 =	vsel vm12, $0x1, v2  }
0x52: {  	v11 =	vperm.xlane v10, v0;
	_ =	sdelay $0x1  }
0x53: {  	v11 =	vsel vm11, $0x0, v11  }
0x54: {  	v10 =	vadd.s32 v10, v11  }
0x55: {  	v11 =	vperm.xlane v10, v1;
	_ =	sdelay $0x1  }
0x56: {  	v11 =	vsel vm0, $0x0, v11  }
0x57: {  	v10 =	vadd.s32 v11, v10  }
0x58: {  	v11 =	vperm.xlane v10, v3;
	_ =	sdelay $0x1  }
0x59: {  	v11 =	vsel vm1, $0x0, v11  }
0x5a: {  	v10 =	vadd.s32 v11, v10  }
0x5b: {  	v11 =	vperm.xlane v10, v5  }
0x5c: {  	v13 =	vsel vm12, $0xFFFFFFFF, v2  }
0x5d: {  	v9 =	vadd.s32 v13, v9;
	v11 =	vsel vm2, $0x0, v11  }
0x5e: {  	v9 =	vadd.s32 v11, v9  }
0x5f: {  	v9 =	vadd.s32 v10, v9  }
0x60: {  	vm13 =	vlt.s32 v9, v8  }
0x61: {  	vm14 =	vgt.f32 v12, v7;
	vm12 =	vmand vm12, vm13  }
0x62: {  	vm12 =	vmor vm14, vm12  }
0x63: {  	v7 =	vsel vm12, $0x1, v2  }
0x64: {  	v62 =	vperm.xlane v7, v0;
	_ =	sdelay $0x1  }
0x65: {  	v8 =	vsel vm11, $0x0, v62  }
0x66: {  	v7 =	vadd.s32 v7, v8  }
0x67: {  	v8 =	vperm.xlane v7, v1;
	_ =	sdelay $0x1  }
0x68: {  	v8 =	vsel vm0, $0x0, v8  }
0x69: {  	v7 =	vadd.s32 v8, v7  }
0x6a: {  	v8 =	vperm.xlane v7, v3;
	_ =	sdelay $0x1  }
0x6b: {  	v8 =	vsel vm1, $0x0, v8  }
0x6c: {  	v7 =	vadd.s32 v8, v7  }
0x6d: {  	v8 =	vperm.xlane v7, v5;
	_ =	sdelay $0x1  }
0x6e: {  	v8 =	vsel vm2, $0x0, v8  }
0x6f: {  	v63 =	vsel vm12, $0xFFFFFFFF, v2;
	v6 =	vadd.s32 v6, v8  }
0x70: {  	v6 =	vadd.s32 v63, v6  }
0x71: {  	v6 =	vadd.s32 v7, v6;
	_ =	sdelay $0x3  }
0x72: {  	v7 =	vor.u32 s23, v4  }
0x73: {  	[tilespmem:v6+s16+$0x0] =	vst.idx.msk vm12, v7  }
0x74: {  	[spmem:s5] =	stream.linear.scatter [tilespmem:s16], [sflag:$0x3], $0x1000, $0x38;
	[tilespmem:$0x12410] =	vst v63  }
0x75: {  	_ =	swait.ge [sflag:s14], $0x1000  }
0x76: {  	[sflag:s14] =	ssyncset.done $0x0  }
0x77: {  	[sflag:s14] =	ssyncadd.s32 $0xFFFFF000  }
.LBB2_5:
0x78: {  	[bflag:$0x0] =	sbarrier.arrive $0xFFFF;
	s23 =	simm.s32 $0x3  }
0x79: {  	[tilespmem:s17], [sflag:$0x3] =	stream.linear.gather [spmem:s7], $0x200, $0x38;
	[tilespmem:$0x12410] =	vst v63  }
0x7a: {  	_ =	swait.ge [sflag:s23], $0x200  }
0x7b: {  	[sflag:s23] =	ssyncset.done $0x0  }
0x7c: {  	[sflag:s23] =	ssyncadd.s32 $0xFFFFFE00  }
0x7d: {  	v6 =	vld [tilespmem:$0x2010];
	_ =	sdelay $0x7  }
0x7e: {  	[tilespmem:s18], [sflag:$0x1] =	stream.indirect_vreg.gather [hbm4b:s9+s3], $0x800, v6, vm3, $0xb8;
	[tilespmem:$0x12410] =	vst v63  }
0x7f: {  	v6 =	vld [tilespmem:$0x2020];
	_ =	sdelay $0x6  }
0x80: {  	s24 =	simm.s32 $0x2040;
	s25 =	smov.u32 s13;
	s26 =	smov.u32 s10  }
0x81: {  	[tilespmem:s19], [sflag:$0x2] =	stream.indirect_vreg.gather [hbm4b:s9+s3], $0x800, v6, vm3, $0xb8;
	[tilespmem:$0x12410] =	vst v63  }
.LBB2_6:
0x82: {  	_ =	swait.ge [sflag:s20], $0x8000;
	s28 =	sadd.s32 $0xFFFF8000, s25  }
0x83: {  	[sflag:s20] =	ssyncset.done $0x0;
	s28 =	sshrl.u32 s28, $0x3  }
0x84: {  	[sflag:s20] =	ssyncadd.s32 $0xFFFF8000;
	s28 =	sadd.s32 s2, s28  }
0x85: {  	[hbm4b:s28+s3] =	stream.linear.scatter [tilespmem:s18], [sflag:$0x3], $0x8000, $0x38;
	[tilespmem:$0x12410] =	vst v63  }
0x86: {  	_ =	swait.ge [sflag:s14], $0x8000  }
0x87: {  	s30 =	sadd.s32 $0xFFFFFFFF, s23;
	[sflag:s14] =	ssyncset.done $0x0  }
0x88: {  	p2 =	sge.u32 s30, s8;
	[sflag:s14] =	ssyncadd.s32 $0xFFFF8000  }
0x89: {  	v6 =	vld @!p2 [tilespmem:s24+$0xFFFFFFF0];
	_ =	sdelay $0x6  }
0x8a: {  	vm11 =	vmmov @!p2 $0xffff;
	s29 =	simm.s32 @!p2 $0x2210;
	s28 =	simm.s32 @!p2 $0x0  }
0x8b: {  	[tilespmem:s29], [sflag:$0x1] =	stream.indirect_vreg.gather @!p2 [hbm4b:s9+s28], $0x800, v6, vm11, $0xb8;
	[tilespmem:$0x12410] =	vst v63  }
0x8c: {  	_ =	swait.ge [sflag:s21], $0x8000  }
0x8d: {  	s31 =	sshrl.u32 s25, $0x3;
	[sflag:s21] =	ssyncset.done $0x0  }
0x8e: {  	s28 =	sadd.s32 s2, s31;
	[sflag:s21] =	ssyncadd.s32 $0xFFFF8000  }
0x8f: {  	[hbm4b:s28+s3] =	stream.linear.scatter [tilespmem:s19], [sflag:$0x3], $0x8000, $0x38;
	[tilespmem:$0x12410] =	vst v63  }
0x90: {  	_ =	swait.ge [sflag:s14], $0x8000  }
0x91: {  	[sflag:s14] =	ssyncset.done $0x0  }
0x92: {  	p2 =	sge.u32 s23, s8;
	[sflag:s14] =	ssyncadd.s32 $0xFFFF8000  }
0x93: {  	v6 =	vld @!p2 [tilespmem:s24+$0x0];
	_ =	sdelay $0x6  }
0x94: {  	s26 =	sadd.s32 $0xFFFFFFFF, s26;
	vm11 =	vmmov @!p2 $0xffff;
	s29 =	simm.s32 @!p2 $0xA210;
	s28 =	simm.s32 @!p2 $0x0  }
0x95: {  	[tilespmem:s29], [sflag:$0x2] =	stream.indirect_vreg.gather @!p2 [hbm4b:s9+s28], $0x800, v6, vm11, $0xb8;
	[tilespmem:$0x12410] =	vst v63  }
0x96: {  	p2 =	sne.s32 s26, $0x0  }
.Ltmp2:
0x97: {  	_ = 	snop;
	(pc) =	sbr.rel @p2 .LBB2_6-.Ltmp2, $2  }
0x98: {  	_ =	sdelay $0x2  }
0x99: {  	s25 =	sadd.s32 $0x10000, s25;
	s23 =	sadd.s32 $0x2, s23;
	s24 =	sadd.s32 $0x20, s24  }
0x9a: {  	v6 =	vimm.s32 @!p1 $0x63626160  }
0x9b: {  	v6 =	vunpack.c.0.s8.s32 @!p1 v6;
	_ =	sdelay $0x1  }
0x9c: {  	v6 =	vnsel @!p1 vm4, $0x65, v6  }
0x9d: {  	v6 =	vsel @!p1 vm5, $0x64, v6;
	_ =	sdelay $0x3  }
0x9e: {  	s23 =	simm.s32 @!p1 $0x2010  }
0x9f: {  	v6 =	vld.idx.msk @!p1 [tilespmem:v6+s23+$0x0], $0xffff;
	_ =	sdelay $0x2  }
0xa0: {  	v7 =	vimm.s32 @!p1 $0xE65  }
0xa1: {  	v7 =	vsel @!p1 vm7, $0xE60, v7  }
0xa2: {  	v7 =	vsel @!p1 vm8, $0xE61, v7  }
0xa3: {  	v7 =	vsel @!p1 vm9, $0xE62, v7  }
0xa4: {  	s24 =	simm.s32 @!p1 $0x2210;
	v7 =	vsel @!p1 vm10, $0xE63, v7;
	s23 =	simm.s32 @!p1 $0x0  }
0xa5: {  	[tilespmem:s24], [sflag:$0x1] =	stream.indirect_vreg.gather @!p1 [hbm4b:s9+s23], $0x800, v6, vm6, $0xb8;
	v6 =	vsel @!p1 vm5, $0xE64, v7;
	[tilespmem:$0x12410] =	vst v63  }
0xa6: {  	s25 =	simm.s32 @!p1 $0x1  }
0xa7: {  	s22 =	sadd.s32 $0x1, s22;
	_ =	swait.ge @!p1 [sflag:s25], $0x8000  }
0xa8: {  	p2 =	sne.s32 s22, s12;
	[sflag:s25] =	ssyncset.done @!p1 $0x0  }
.Ltmp3:
0xa9: {  	[sflag:s25] =	ssyncadd.s32 @!p1 $0xFFFF8000;
	(pc) =	sbr.rel @p2 .LBB2_1-.Ltmp3, $4  }
0xaa: {  	[hbm4b:s11+s23] =	stream.indirect_vreg.scatter @!p1 [tilespmem:s24], [sflag:$0x1], $0x800, v6, vm6, $0xb8;
	[tilespmem:$0x12410] =	vst v63  }
0xab: {  	_ =	swait.ge @!p1 [sflag:s25], $0x8000  }
0xac: {  	[sflag:s25] =	ssyncset.done @!p1 $0x0  }
0xad: {  	[sflag:s25] =	ssyncadd.s32 @!p1 $0xFFFF8000  }
0xae: {  	_ =	sfence.sel $0x180000  }
0xaf: {  	[bflag:$0x0] =	sbarrier.arrive $0xFFFF  }
0xb0: {  	p0 =	sne.s32 s0, $0x0;
	_ =	strace $0x9000004A  }
0xb1: {  	s0 =	sadd.s32 @!p0 $0x100000, s1;
	[bflag:$0x2] =	sbarrier.arrive $0xFFFF  }
0xb2: {  	[sflag:s0] =	ssyncadd.tile.s32 @!p0 $0x1;
	_ =	shalt  }
.Lfunc_end2:
_tile_overlayer_lowered:
.L_overlay_start_2:
0xb3: {  	(tag) =	ssettag $0x2  }
0xb4: {  	s0 =	rddreg [dreg:$0x0];
	s2 =	stileid.u32  }
0xb5: {  	s1 =	rddreg [dreg:$0x1];
	p0 =	sne.s32 s2, $0x0  }
0xb6: {  	s3 =	rddreg [dreg:$0x2];
	[bflag:$0x3] =	sbarrier.arrive $0xFFFF;
	s2 =	simm.s32 @!p0 $0x1C03  }
0xb7: {  	[timem:s3], [sflag:s2] =	dma.local @!p0 [hbm:s0], s1  }
0xb8: {  	s0 =	simm.s32 @!p0 $0x3  }
0xb9: {  	_ =	swait.ge @!p0 [sflag:s0], s1  }
0xba: {  	s1 =	ssub.s32 @!p0 $0x0, s1;
	[sflag:s0] =	ssyncset.done @!p0 $0x0  }
0xbb: {  	[sflag:s0] =	ssyncadd.s32 @!p0 s1  }
0xbc: {  	[bflag:$0x3] =	sbarrier.arrive $0xFFFF  }
0xbd: {  	_ =	shalt  }

// kernel: sparse-core-data-format-call.cloned.1.call-start
scs
called_computation_lowered:
.L_overlay_start_0:
0x0: {  	s2 =	sld [smem:$0x3FD9]  }
0x1: {  	s3 =	sld [smem:$0x3FFE];
	_ =	sdelay $0x1  }
0x2: {  	s1 =	srdreg.scid  }
0x3: {  	s0 =	sand.u32 $0x1, s1  }
0x4: {  	s18 =	sshll.u32 s0, $0xA;
	s2 =	sadd.s32 s3, s2  }
0x5: {  	s2 =	sadd.s32 s2, s18  }
0x6: {  	[smem:$0x3FC7] =	sst s2  }
0x7: {  	_ = 	snop  }
0x8: {  	s2 =	sld [smem:$0x3FC9];
	(tm) =	ssettm $0x1  }
0x9: {  	s19 =	sld [smem:$0x3FFB];
	_ =	sdelay $0x3  }
0xa: {  	_ =	strace s19  }
0xb: {  	s3 =	sld [smem:$0x3FFC];
	_ =	sdelay $0x3  }
0xc: {  	_ =	strace s3  }
0xd: {  	s3 =	sld [smem:$0x3FFD];
	_ =	sdelay $0x3  }
0xe: {  	_ =	strace s3  }
0xf: {  	_ =	strace $0x8FFFFFFF  }
0x10: {  	s20 =	sld [smem:$0x3FDB];
	_ =	sdelay $0x1  }
0x11: {  	s4 =	simm.s32 $_scs_section_size  }
0x12: {  	s5 =	simm.s32 $_size__tile_overlayer_lowered;
	s6 =	simm.s32 $_tile_overlayer_lowered  }
0x13: {  	s23 =	simm.s32 $0x1BFF;
	s22 =	sshll.u32 s6, $0x1;
	s3 =	sadd.s32 s4, s20  }
0x14: {  	s7 =	simm.s32 $0x0;
	s21 =	sshll.u32 s5, $0x1;
	s5 =	sadd.s32 s22, s3  }
0x15: {  	[timem:s7], [sflag:s23] =	dma.local [hbm:s5], s21  }
0x16: {  	_ =	swait.ge [sflag:s23], s21  }
0x17: {  	s4 =	ssub.s32 $0x0, s21;
	[sflag:s23] =	ssyncset.done $0x0  }
0x18: {  	[sflag:s23] =	ssyncadd.s32 s4;
	_ =	sdelay $0x1  }
0x19: {  	s24 =	simm.s32 $0x1B8B  }
0x1a: {  	_ =	swait.ge [sflag:s24], $0x1  }
0x1b: {  	[sflag:s24] =	ssyncset.done $0x0  }
0x1c: {  	s26 =	simm.s32 $0x1B8E;
	s25 =	sld [smem:$0x3FFE];
	[sflag:s24] =	ssyncadd.s32 $0xFFFFFFFF  }
0x1d: {  	s27 =	simm.s32 $execute0_lowered;
	[smem:$0x3FD2] =	sst s26  }
0x1e: {  	s5 =	sshll.u32 s27, $0x1;
	_ =	strace $0x80000046;
	[dreg:$0x1] =	wrdreg $0xFFFFFFFF  }
0x1f: {  	s28 =	simm.s32 $_size_execute0_lowered;
	s3 =	sadd.s32 s3, s5;
	[dreg:$0x0] =	wrdreg $0x0  }
0x20: {  	s5 =	sshll.u32 s28, $0x1;
	[dreg:$0x2] =	wrdreg s3  }
0x21: {  	[dreg:$0x3] =	wrdreg s5  }
0x22: {  	[dreg:$0x4] =	wrdreg $0xC0  }
0x23: {  	_ =	task [dreg:s7], $0x5FFFF  }
0x24: {  	[dreg:$0x1] =	wrdreg $0xFFFFFFFF  }
0x25: {  	[dreg:$0x0] =	wrdreg $0x60  }
0x26: {  	[dreg:$0x2] =	wrdreg s2  }
0x27: {  	[dreg:$0x3] =	wrdreg s25  }
0x28: {  	[dreg:$0x4] =	wrdreg $0x9  }
0x29: {  	_ =	task.clear_ibuf [dreg:s7], $0x5FFFF;
	_ =	strace $0x90000046  }
0x2a: {  	s29 =	simm.s32 $0x9;
	_ =	strace $0x80000048  }
0x2b: {  	_ =	swait.ge [sflag:s29], $0x1  }
0x2c: {  	[sflag:s29] =	ssyncadd.s32 $0xFFFFFFFF  }
0x2d: {  	_ =	strace $0x90000048  }
0x2e: {  	_ =	sfence  }
0x2f: {  	s30 =	sld [smem:$0x0];
	_ =	sdelay $0x2  }
0x30: {  	s31 =	sshll.u32 s1, $0xD;
	s1 =	sshrl.u32 s1, $0x2  }
0x31: {  	s3 =	sand.u32 $0x4000, s31;
	s1 =	sadd.s32 s1, s30  }
0x32: {  	s0 =	sor.u32 s3, s0;
	s1 =	sshll.u32 s1, $0x11  }
0x33: {  	s0 =	sor.u32 s1, s0  }
0x34: {  	s0 =	sadd.s32 $0x8F2B, s0  }
0x35: {  	[sflag:s0] =	ssyncadd.remote.s32 $0x1  }
0x36: {  	_ =	sfence.sel $0xFFFF  }
0x37: {  	[dreg:$0x0] =	wrdreg $0xFFFFFFFF;
	(pc) =	sbr.abs _section_cstart, $3  }
0x38: {  	[dreg:$0x1] =	wrdreg $0xFFFFFFFF  }
0x39: {  	_ =	task.clear_ibuf [dreg:s7], $0x2FFFF;
	_ =	strace $0x9FFFFFFF  }
0x3a: {  	(tm) =	ssettm $0x7FFFFFFF  }
0x3b: {  	_ =	shalt  }
tec
execute0_lowered:
.L_overlay_start_1:
0x0: {  	(tag) =	ssettag $0x1  }
0x1: {  	s2 =	rddreg [dreg:$0x0]  }
0x2: {  	s1 =	rddreg [dreg:$0x1]  }
0x3: {  	s0 =	rddreg [dreg:$0x2];
	_ =	strace $0x80000047;
	s4 =	srdreg.scid  }
.Ltmp0:
0x4: {  	s6 =	simm.s32 $0x2;
	p0 =	por $0x0, $0x0;
	(pc) =	sbr.rel .LBB1_1-.Ltmp0, $4  }
0x5: {  	s9 =	simm.s32 $0x0;
	s3 =	sadd.s32 $0xA00, s1;
	s5 =	sshll.u32 s4, $0x4  }
0x6: {  	s1 =	stileid.u32;
	s4 =	simm.s32 $0x1;
	s5 =	sand.u32 $0x10, s5  }
0x7: {  	s7 =	simm.s32 $0x0;
	[sflag:s4] =	ssyncpa.u1 $0x0;
	s5 =	sor.u32 s1, s5  }
0x8: {  	[sflag:s6] =	ssyncpa.u1 $0x0;
	s6 =	simm.s32 $0x0;
	s8 =	smov.u32 s5  }
.LBB1_7:
0x9: {  	s11 =	sadd.s32 $0x20, s8  }
0xa: {  	p1 =	slt.u32 s7, $0x2;
	s7 =	sadd.s32 $0x1, s7;
	p2 =	sgt.s32 s11, $0x7FF  }
0xb: {  	s11 =	smov.u32 @p2 s5;
	p2 =	sne.s32 s7, $0x42  }
.Ltmp1:
0xc: {  	_ = 	snop;
	(pc) =	sbr.rel @!p2 .LBB1_8-.Ltmp1, $4  }
0xd: {  	s10 =	simm.s32 @!p1 $0x2  }
0xe: {  	_ =	swait.ge @!p1 [sflag:s10], $0x4000  }
0xf: {  	s9 =	smov.u32 s8;
	[sflag:s10] =	ssyncset.done @!p1 $0x0  }
0x10: {  	p0 =	por !p0, !p0;
	s8 =	smov.u32 s11;
	[sflag:s10] =	ssyncadd.s32 @!p1 $0xFFFFC000  }
.LBB1_1:
0x11: {  	p1 =	sgt.u32 s7, $0x3F  }
0x12: {  	s10 =	sxor.u32 @!p1 $0xFFFFFFFF, s7  }
0x13: {  	s11 =	sshll.u32 @!p1 s8, $0xB;
	s10 =	sshll.u32 @!p1 s10, $0xE  }
0x14: {  	s12 =	simm.s32 @!p1 $0x0;
	s11 =	sadd.s32 @!p1 s2, s11;
	s10 =	sand.u32 @!p1 $0x4000, s10  }
0x15: {  	[tilespmem:s10], [sflag:$0x1] =	stream.linear.gather @!p1 [hbm4b:s11+s12], $0x4000, $0x38;
	[tilespmem:$0x10000] =	vst v63  }
0x16: {  	p1 =	seq.s32 s7, $0x0  }
0x17: {  	p2 =	seq.s32 @!p1 s7, $0x41  }
0x18: {  	p1 =	por p1, p2  }
.Ltmp2:
0x19: {  	_ = 	snop;
	(pc) =	sbr.rel @p1 .LBB1_7-.Ltmp2, $1  }
0x1a: {  	_ =	sdelay $0x3  }
0x1b: {  	s10 =	simm.s32 $0x1;
	_ =	swait.ge [sflag:s4], $0x4000;
	s12 =	sshll.u32 s7, $0xE  }
0x1c: {  	s13 =	simm.s32 $0x0;
	s10 =	simm.s32 @!p0 $0x0;
	[sflag:s4] =	ssyncset.done $0x0  }
0x1d: {  	s12 =	sand.u32 $0x4000, s12;
	s11 =	sshll.u32 s10, $0xE;
	[sflag:s4] =	ssyncadd.s32 $0xFFFFC000  }
0x1e: {  	s12 =	sor.u32 $0x8000, s12;
	s10 =	sor.u32 $0x8040, s11;
	s11 =	sor.u32 $0x40, s11  }
.LBB1_3:
0x1f: {  	v0 =	vmov s11;
	_ =	sdelay $0x3  }
0x20: {  	s15 =	simm.s32 $0x0  }
0x21: {  	v6 =	vld.idx.msk [tilespmem:v0+s15+$0x30 ss:$0x1], $0xffff  }
0x22: {  	v7 =	vld.idx.msk [tilespmem:v0+s15+$0xFFFFFFC0 ss:$0x1], $0xffff  }
0x23: {  	v5 =	vld.idx.msk [tilespmem:v0+s15+$0xFFFFFFD0 ss:$0x1], $0xffff  }
0x24: {  	v4 =	vld.idx.msk [tilespmem:v0+s15+$0xFFFFFFE0 ss:$0x1], $0xffff  }
0x25: {  	v3 =	vld.idx.msk [tilespmem:v0+s15+$0xFFFFFFF0 ss:$0x1], $0xffff  }
0x26: {  	v1 =	vld.idx.msk [tilespmem:v0+s15+$0x0 ss:$0x1], $0xffff  }
0x27: {  	v2 =	vld.idx.msk [tilespmem:v0+s15+$0x10 ss:$0x1], $0xffff;
	[tilespmem:s10+$0x30] =	vst v6  }
0x28: {  	s14 =	simm.s32 $0x80;
	s16 =	simm.s32 $0x400;
	[tilespmem:s10+$0xFFFFFFC0] =	vst v7;
	v6 =	vld.idx.msk [tilespmem:v0+s15+$0x20 ss:$0x1], $0xffff;
	s15 =	smov.u32 s10  }
.LBB1_4:
0x29: {  	p1 =	sne.s32 s16, $0xE00;
	v7 =	vld.idx.msk [tilespmem:v0+s14+$0x30 ss:$0x1], $0xffff;
	[tilespmem:s15+$0xFFFFFFD0] =	vst v5  }
0x2a: {  	v8 =	vld.idx.msk [tilespmem:v0+s14+$0xFFFFFFC0 ss:$0x1], $0xffff;
	[tilespmem:s15+$0xFFFFFFE0] =	vst v4  }
0x2b: {  	v5 =	vld.idx.msk [tilespmem:v0+s14+$0xFFFFFFD0 ss:$0x1], $0xffff;
	[tilespmem:s15+$0xFFFFFFF0] =	vst v3  }
.Ltmp3:
0x2c: {  	v4 =	vld.idx.msk [tilespmem:v0+s14+$0xFFFFFFE0 ss:$0x1], $0xffff;
	[tilespmem:s15+$0x0] =	vst v1;
	(pc) =	sbr.rel @p1 .LBB1_4-.Ltmp3, $4  }
0x2d: {  	v3 =	vld.idx.msk [tilespmem:v0+s14+$0xFFFFFFF0 ss:$0x1], $0xffff;
	[tilespmem:s15+$0x10] =	vst v2  }
0x2e: {  	v1 =	vld.idx.msk [tilespmem:v0+s14+$0x0 ss:$0x1], $0xffff;
	[tilespmem:s15+$0x20] =	vst v6;
	s15 =	sadd.s32 $0x800, s15  }
0x2f: {  	v2 =	vld.idx.msk [tilespmem:v0+s14+$0x10 ss:$0x1], $0xffff;
	[tilespmem:s15+$0x30] =	vst v7  }
0x30: {  	[tilespmem:s15+$0xFFFFFFC0] =	vst v8;
	v6 =	vld.idx.msk [tilespmem:v0+s14+$0x20 ss:$0x1], $0xffff;
	s14 =	sshra.s32 s16, $0x2;
	s16 =	sadd.s32 $0x200, s16  }
0x31: {  	_ =	sdelay $0x2  }
0x32: {  	[tilespmem:s15+$0xFFFFFFD0] =	vst v5  }
0x33: {  	v56 =	vld.idx.msk [tilespmem:v0+s14+$0x30 ss:$0x1], $0xffff;
	[tilespmem:s15+$0xFFFFFFE0] =	vst v4  }
0x34: {  	v57 =	vld.idx.msk [tilespmem:v0+s14+$0xFFFFFFC0 ss:$0x1], $0xffff;
	[tilespmem:s15+$0xFFFFFFF0] =	vst v3  }
0x35: {  	v58 =	vld.idx.msk [tilespmem:v0+s14+$0xFFFFFFD0 ss:$0x1], $0xffff;
	[tilespmem:s15+$0x0] =	vst v1  }
0x36: {  	v59 =	vld.idx.msk [tilespmem:v0+s14+$0xFFFFFFE0 ss:$0x1], $0xffff;
	[tilespmem:s15+$0x10] =	vst v2  }
0x37: {  	v60 =	vld.idx.msk [tilespmem:v0+s14+$0xFFFFFFF0 ss:$0x1], $0xffff;
	s31 =	sadd.s32 $0x800, s15;
	[tilespmem:s15+$0x20] =	vst v6  }
0x38: {  	v61 =	vld.idx.msk [tilespmem:v0+s14+$0x0 ss:$0x1], $0xffff;
	[tilespmem:s31+$0x30] =	vst v56  }
0x39: {  	v62 =	vld.idx.msk [tilespmem:v0+s14+$0x10 ss:$0x1], $0xffff;
	s13 =	sadd.s32 $0x1, s13;
	[tilespmem:s31+$0xFFFFFFC0] =	vst v57  }
0x3a: {  	v63 =	vld.idx.msk [tilespmem:v0+s14+$0x20 ss:$0x1], $0xffff;
	p1 =	sne.s32 s13, $0x10;
	[tilespmem:s31+$0xFFFFFFD0] =	vst v58  }
.Ltmp4:
0x3b: {  	[tilespmem:s31+$0xFFFFFFE0] =	vst v59;
	(pc) =	sbr.rel @p1 .LBB1_3-.Ltmp4, $4  }
0x3c: {  	[tilespmem:s31+$0xFFFFFFF0] =	vst v60  }
0x3d: {  	[tilespmem:s31+$0x0] =	vst v61  }
0x3e: {  	[tilespmem:s31+$0x10] =	vst v62  }
0x3f: {  	s10 =	sadd.s32 $0x80, s10;
	s11 =	sadd.s32 $0x400, s11;
	[tilespmem:s31+$0x20] =	vst v63  }
.Ltmp5:
0x40: {  	(pc) =	sbr.rel .LBB1_7-.Ltmp5, $4  }
0x41: {  	_ = 	snop  }
0x42: {  	s9 =	sshll.u32 s9, $0xB  }
0x43: {  	s9 =	sadd.s32 s3, s9  }
0x44: {  	[hbm4b:s9+s6] =	stream.linear.scatter [tilespmem:s12], [sflag:$0x2], $0x4000, $0x38;
	[tilespmem:$0x10000] =	vst v63  }
.LBB1_8:
0x45: {  	_ =	sfence.sel $0x180000  }
0x46: {  	s2 =	simm.s32 $0x1;
	[bflag:$0x0] =	sbarrier.arrive $0xFFFF  }
0x47: {  	s31 =	simm.s32 $0x2;
	[sflag:s2] =	ssyncpa.u1 $0x1  }
0x48: {  	[sflag:s31] =	ssyncpa.u1 $0x1  }
0x49: {  	p0 =	sne.s32 s1, $0x0;
	_ =	strace $0x90000047  }
0x4a: {  	s0 =	sadd.s32 @!p0 $0x100000, s0;
	[bflag:$0x2] =	sbarrier.arrive $0xFFFF  }
0x4b: {  	[sflag:s0] =	ssyncadd.tile.s32 @!p0 $0x1;
	_ =	shalt  }
.Lfunc_end1:
_tile_overlayer_lowered:
.L_overlay_start_2:
0x4c: {  	(tag) =	ssettag $0x2  }
0x4d: {  	s0 =	rddreg [dreg:$0x0];
	s2 =	stileid.u32  }
0x4e: {  	s1 =	rddreg [dreg:$0x1];
	p0 =	sne.s32 s2, $0x0  }
0x4f: {  	s3 =	rddreg [dreg:$0x2];
	[bflag:$0x3] =	sbarrier.arrive $0xFFFF;
	s2 =	simm.s32 @!p0 $0x1C01  }
0x50: {  	[timem:s3], [sflag:s2] =	dma.local @!p0 [hbm:s0], s1  }
0x51: {  	s0 =	simm.s32 @!p0 $0x1  }
0x52: {  	_ =	swait.ge @!p0 [sflag:s0], s1  }
0x53: {  	s1 =	ssub.s32 @!p0 $0x0, s1;
	[sflag:s0] =	ssyncset.done @!p0 $0x0  }
0x54: {  	[sflag:s0] =	ssyncadd.s32 @!p0 s1  }
0x55: {  	[bflag:$0x3] =	sbarrier.arrive $0xFFFF  }
0x56: {  	_ =	shalt  }

</sc_bundles>
